<compile_context>
chip_gen: v7x
topology: tpu7x:2x2x1
jax: 0.10.2.dev20260603
libtpu: 0.0.44.dev20260713+nightly
codegen_flags: <defaults>
</compile_context>

<pallas_src>
import functools

import jax
import jax.numpy as jnp
from jax import lax
from jax.experimental import pallas as pl
from jax.experimental.pallas import tpu as pltpu
from jax.experimental.pallas import tpu_sc as plsc

PRE_SEQ_LEN = 128
HIDDEN = 768
NUM_LAYERS = 12
ROW_DIM = NUM_LAYERS * 2 * HIDDEN
BATCH_N = 16
N_ROWS = BATCH_N * PRE_SEQ_LEN

_NC, _NS = 2, 16
_S = 16
_GB = 32 // _S
_W = ROW_DIM // _S
_RB = PRE_SEQ_LEN // _GB
_NG = N_ROWS // 16

_mesh = plsc.VectorSubcoreMesh(core_axis_name="c", subcore_axis_name="s")


@functools.partial(
    pl.kernel,
    mesh=_mesh,
    out_type=jax.ShapeDtypeStruct((N_ROWS, ROW_DIM), jnp.float32),
    scratch_types=[
        pltpu.VMEM((_RB, _W), jnp.float32),
        pltpu.VMEM((N_ROWS,), jnp.int32),
        pltpu.SemaphoreType.DMA,
        pltpu.SemaphoreType.DMA,
    ],
)
def _gather_kernel(idx_hbm, table_hbm, out_hbm, cache_v, idx_v, lsem, wsem):
    t = lax.axis_index("s") * _NC + lax.axis_index("c")
    g = t // _S
    s = t % _S
    lo = g * _RB
    coff = s * _W
    cl = pltpu.async_copy(table_hbm.at[pl.ds(lo, _RB), pl.ds(coff, _W)], cache_v, lsem)
    il = pltpu.async_copy(idx_hbm, idx_v, lsem)
    il.wait()
    cl.wait()

    def step(gi, cnt):
        v = idx_v[pl.ds(gi * 16, 16)]
        for lane in range(16):
            r = v[lane]
            m = (r >> 6) == g

            @pl.when(m)
            def _():
                pltpu.async_copy(
                    cache_v.at[r & 63], out_hbm.at[gi * 16 + lane, pl.ds(coff, _W)], wsem
                )

            cnt = cnt + jnp.where(m, 1, 0)
        return cnt

    cnt = lax.fori_loop(0, _NG, step, jnp.int32(0))

    def drain(i, c):
        pltpu.make_async_copy(cache_v.at[0], out_hbm.at[0, pl.ds(coff, _W)], wsem).wait()
        return c

    lax.fori_loop(0, cnt, drain, jnp.int32(0))


def kernel(prefix, embedding_table):
    idx = prefix.reshape(N_ROWS)
    out = _gather_kernel(idx, embedding_table)
    return out.reshape(BATCH_N, PRE_SEQ_LEN, ROW_DIM)

# --- scband reference (transcript-rebuilt; emitter-appended) ---
"""Pipeline reference for scband-prefix-encoder-42941083025582 (READ-ONLY COPY).

The authoritative reference and input builder live on the scoring server;
editing this copy changes nothing except your own understanding.
"""

import jax, jax.numpy as jnp
import numpy as np

PRE_SEQ_LEN = 128
HIDDEN = 768
NUM_LAYERS = 12
ROW_DIM = NUM_LAYERS * 2 * HIDDEN  # 18432
BATCH = 16


def setup_inputs(seed: int = 0) -> dict:
    key = jax.random.key(seed)
    k1, k2 = jax.random.split(key)
    # prefix indices: (batch, prefix_len), values in [0, pre_seq_len)
    prefix = jax.random.randint(k1, (BATCH, PRE_SEQ_LEN), 0, PRE_SEQ_LEN, dtype=jnp.int32)
    # learned embedding table (prefix_projection=False branch):
    # nn.Embedding(pre_seq_len, num_hidden_layers * 2 * hidden_size)
    embedding_table = jax.random.normal(k2, (PRE_SEQ_LEN, ROW_DIM), dtype=jnp.float32) * 0.02
    return {"prefix": prefix, "embedding_table": embedding_table}


def reference(prefix, embedding_table):
    # prefix_projection is False and residual_prefix_projection is False,
    # so forward is a plain embedding lookup:
    # past_key_values = self.embedding(prefix)
    past_key_values = jnp.take(embedding_table, prefix, axis=0)
    return past_key_values

if __name__ == "__main__":
    import jax
    _d = setup_inputs()
    print(jax.jit(kernel)(*tuple(_d.values())))

</pallas_src>

<mosaic_0001>
#map = affine_map<(d0, d1) -> (0)>
#map1 = affine_map<(d0, d1) -> (0, 0)>
module attributes {stable_mosaic.version = 14 : i64} {
  func.func @_gather_kernel(%arg0: i32, %arg1: i32, %arg2: memref<2048xi32, #tpu.memory_space<hbm>>, %arg3: memref<128x18432xf32, #tpu.memory_space<hbm>>, %arg4: memref<2048x18432xf32, #tpu.memory_space<hbm>>, %arg5: memref<64x1152xf32, #tpu.memory_space<vmem>>, %arg6: memref<2048xi32, #tpu.memory_space<vmem>>, %arg7: memref<!tpu.dma_semaphore, #tpu.memory_space<semaphore_mem>>, %arg8: memref<!tpu.dma_semaphore, #tpu.memory_space<semaphore_mem>>) attributes {dimension_semantics = [#tpu.dimension_semantics<core_parallel>, #tpu.dimension_semantics<subcore_parallel>], iteration_bounds = array<i64: 2, 16>, scalar_prefetch = 0 : i64, scratch_operands = 4 : i64, tpu.core_type = #tpu.core_type<sc_vector_subcore>, window_params = [{transform_indices = #map}, {transform_indices = #map1}, {transform_indices = #map1}]} {
    %mul3A = arith.constant 2 : i32
    %mul3A_0 = arith.muli %arg1, %mul3A : i32
    %add3A = arith.addi %mul3A_0, %arg0 : i32
    %jit3A = arith.constant 16 : i32
    %div3A = arith.divsi %add3A, %jit3A : i32
    %sign3A = arith.constant 0 : i32
    %sign3A_1 = arith.cmpi sgt, %add3A, %sign3A : i32
    %sign3A_2 = arith.extui %sign3A_1 : i1 to i32
    %sign3A_3 = arith.constant 0 : i32
    %sign3A_4 = arith.cmpi slt, %add3A, %sign3A_3 : i32
    %sign3A_5 = arith.extui %sign3A_4 : i1 to i32
    %sign3A_6 = arith.subi %sign3A_2, %sign3A_5 : i32
    %sign3A_7 = arith.constant 0 : i32
    %sign3A_8 = arith.cmpi sgt, %jit3A, %sign3A_7 : i32
    %sign3A_9 = arith.extui %sign3A_8 : i1 to i32
    %sign3A_10 = arith.constant 0 : i32
    %sign3A_11 = arith.cmpi slt, %jit3A, %sign3A_10 : i32
    %sign3A_12 = arith.extui %sign3A_11 : i1 to i32
    %sign3A_13 = arith.subi %sign3A_9, %sign3A_12 : i32
    %ne3A = arith.cmpi ne, %sign3A_6, %sign3A_13 : i32
    %rem3A = arith.remsi %add3A, %jit3A : i32
    %ne3A_14 = arith.constant 0 : i32
    %ne3A_15 = arith.cmpi ne, %rem3A, %ne3A_14 : i32
    %and3A = arith.andi %ne3A, %ne3A_15 : i1
    %sub3A = arith.constant 1 : i32
    %sub3A_16 = arith.subi %div3A, %sub3A : i32
    %select_n3A = arith.select %and3A, %sub3A_16, %div3A : i32
    %jit3A_17 = arith.constant 16 : i32
    %eq3A = arith.constant 0 : i32
    %eq3A_18 = arith.cmpi eq, %jit3A_17, %eq3A : i32
    %jit3A_19 = arith.constant 1 : i32
    %select_n3A_20 = arith.select %eq3A_18, %jit3A_19, %jit3A_17 : i32
    %rem3A_21 = arith.remsi %add3A, %select_n3A_20 : i32
    %ne3A_22 = arith.constant 0 : i32
    %ne3A_23 = arith.cmpi ne, %rem3A_21, %ne3A_22 : i32
    %lt3A = arith.constant 0 : i32
    %lt3A_24 = arith.cmpi slt, %rem3A_21, %lt3A : i32
    %lt3A_25 = arith.constant 0 : i32
    %lt3A_26 = arith.cmpi slt, %select_n3A_20, %lt3A_25 : i32
    %ne3A_27 = arith.xori %lt3A_24, %lt3A_26 : i1
    %and3A_28 = arith.andi %ne3A_27, %ne3A_23 : i1
    %add3A_29 = arith.addi %rem3A_21, %select_n3A_20 : i32
    %select_n3A_30 = arith.select %and3A_28, %add3A_29, %rem3A_21 : i32
    %mul3A_31 = arith.constant 64 : i32
    %mul3A_32 = arith.muli %select_n3A, %mul3A_31 : i32
    %mul3A_33 = arith.constant 1152 : i32
    %mul3A_34 = arith.muli %select_n3A_30, %mul3A_33 : i32
    %dma_start3A = tpu.memref_slice %arg3[%mul3A_32, %mul3A_34] : memref<128x18432xf32, #tpu.memory_space<hbm>> -> memref<64x1152xf32, #tpu.memory_space<hbm>>
    %dma_start3A_35 = tpu.memref_slice %arg3[%mul3A_32, %mul3A_34] : memref<128x18432xf32, #tpu.memory_space<hbm>> -> memref<64x1152xf32, #tpu.memory_space<hbm>>
    tpu.enqueue_dma source(%dma_start3A_35 : memref<64x1152xf32, #tpu.memory_space<hbm>>) target(%arg5 : memref<64x1152xf32, #tpu.memory_space<vmem>>) target_semaphore(%arg7 : memref<!tpu.dma_semaphore, #tpu.memory_space<semaphore_mem>>)
    tpu.enqueue_dma source(%arg2 : memref<2048xi32, #tpu.memory_space<hbm>>) target(%arg6 : memref<2048xi32, #tpu.memory_space<vmem>>) target_semaphore(%arg7 : memref<!tpu.dma_semaphore, #tpu.memory_space<semaphore_mem>>)
    tpu.wait_dma2 semaphore(%arg7 : memref<!tpu.dma_semaphore, #tpu.memory_space<semaphore_mem>>) src(%arg2 : memref<2048xi32, #tpu.memory_space<hbm>>) dst(%arg6 : memref<2048xi32, #tpu.memory_space<vmem>>)
    %dma_wait3A = tpu.memref_slice %arg3[%mul3A_32, %mul3A_34] : memref<128x18432xf32, #tpu.memory_space<hbm>> -> memref<64x1152xf32, #tpu.memory_space<hbm>>
    %dma_wait3A_36 = tpu.memref_slice %arg3[%mul3A_32, %mul3A_34] : memref<128x18432xf32, #tpu.memory_space<hbm>> -> memref<64x1152xf32, #tpu.memory_space<hbm>>
    tpu.wait_dma2 semaphore(%arg7 : memref<!tpu.dma_semaphore, #tpu.memory_space<semaphore_mem>>) src(%dma_wait3A_36 : memref<64x1152xf32, #tpu.memory_space<hbm>>) dst(%arg5 : memref<64x1152xf32, #tpu.memory_space<vmem>>)
    %scan3A = arith.constant 0 : i32
    %scan3A_37 = arith.constant 0 : i32
    %scan3A_38 = arith.constant 128 : i32
    %scan3A_39 = arith.addi %scan3A_37, %scan3A_38 : i32
    %scan3A_40 = arith.constant 1 : i32
    %scan3A_41 = scf.for %scan3A_52 = %scan3A_37 to %scan3A_39 step %scan3A_40 iter_args(%scan3A_53 = %scan3A) -> (i32)  : i32 {
      %mul3A_54 = arith.constant 16 : i32
      %mul3A_55 = arith.muli %scan3A_52, %mul3A_54 : i32
      %get3A = arith.index_cast %mul3A_55 : i32 to index
      %get3A_56 = tpu.vector_load %arg6[%get3A] {strides = array<i32>} : memref<2048xi32, #tpu.memory_space<vmem>>, vector<16xi32>,
      %get3A_57 = vector.shape_cast %get3A_56 : vector<16xi32> to vector<16xi32>
      %slice3A = vector.extract_strided_slice %get3A_57 {offsets = [0], sizes = [1], strides = [1]} : vector<16xi32> to vector<1xi32>
      %squeeze3A = vector.extract %slice3A[0] : i32 from vector<1xi32>
      %shift_right_arithmetic3A = arith.constant 6 : i32
      %shift_right_arithmetic3A_58 = arith.shrsi %squeeze3A, %shift_right_arithmetic3A : i32
      %eq3A_59 = arith.cmpi eq, %shift_right_arithmetic3A_58, %select_n3A : i32
      %convert_element_type3A = arith.extui %eq3A_59 : i1 to i32
      %cond3A = arith.constant 0 : i32
      %cond3A_60 = arith.cmpi ne, %convert_element_type3A, %cond3A : i32
      scf.if %cond3A_60 {
        %and3A_245 = arith.constant 63 : i32
        %and3A_246 = arith.andi %squeeze3A, %and3A_245 : i32
        %mul3A_247 = arith.constant 16 : i32
        %mul3A_248 = arith.muli %scan3A_52, %mul3A_247 : i32
        %add3A_249 = arith.constant 0 : i32
        %add3A_250 = arith.addi %mul3A_248, %add3A_249 : i32
        %dma_start3A_251 = arith.constant 0 : i32
        %dma_start3A_252 = tpu.memref_slice %arg5[%and3A_246, %dma_start3A_251] : memref<64x1152xf32, #tpu.memory_space<vmem>> -> memref<1x1152xf32, #tpu.memory_space<vmem>>
        %dma_start3A_253 = tpu.memref_squeeze %dma_start3A_252 : memref<1x1152xf32, #tpu.memory_space<vmem>> -> memref<1152xf32, #tpu.memory_space<vmem>>
        %dma_start3A_254 = tpu.memref_slice %arg4[%add3A_250, %mul3A_34] : memref<2048x18432xf32, #tpu.memory_space<hbm>> -> memref<1x1152xf32, #tpu.memory_space<hbm>>
        %dma_start3A_255 = tpu.memref_squeeze %dma_start3A_254 : memref<1x1152xf32, #tpu.memory_space<hbm>> -> memref<1152xf32, #tpu.memory_space<hbm>>
        %dma_start3A_256 = tpu.memref_slice %arg4[%add3A_250, %mul3A_34] : memref<2048x18432xf32, #tpu.memory_space<hbm>> -> memref<1x1152xf32, #tpu.memory_space<hbm>>
        %dma_start3A_257 = tpu.memref_squeeze %dma_start3A_256 : memref<1x1152xf32, #tpu.memory_space<hbm>> -> memref<1152xf32, #tpu.memory_space<hbm>>
        %dma_start3A_258 = arith.constant 0 : i32
        %dma_start3A_259 = tpu.memref_slice %arg5[%and3A_246, %dma_start3A_258] : memref<64x1152xf32, #tpu.memory_space<vmem>> -> memref<1x1152xf32, #tpu.memory_space<vmem>>
        %dma_start3A_260 = tpu.memref_squeeze %dma_start3A_259 : memref<1x1152xf32, #tpu.memory_space<vmem>> -> memref<1152xf32, #tpu.memory_space<vmem>>
        tpu.enqueue_dma source(%dma_start3A_260 : memref<1152xf32, #tpu.memory_space<vmem>>) target(%dma_start3A_257 : memref<1152xf32, #tpu.memory_space<hbm>>) target_semaphore(%arg8 : memref<!tpu.dma_semaphore, #tpu.memory_space<semaphore_mem>>)
      } else {
      }
      %jit3A_61 = arith.constant 1 : i32
      %jit3A_62 = arith.constant 0 : i32
      %select_n3A_63 = arith.select %eq3A_59, %jit3A_61, %jit3A_62 : i32
      %add3A_64 = arith.addi %scan3A_53, %select_n3A_63 : i32
      %slice3A_65 = vector.extract_strided_slice %get3A_57 {offsets = [1], sizes = [1], strides = [1]} : vector<16xi32> to vector<1xi32>
      %squeeze3A_66 = vector.extract %slice3A_65[0] : i32 from vector<1xi32>
      %shift_right_arithmetic3A_67 = arith.constant 6 : i32
      %shift_right_arithmetic3A_68 = arith.shrsi %squeeze3A_66, %shift_right_arithmetic3A_67 : i32
      %eq3A_69 = arith.cmpi eq, %shift_right_arithmetic3A_68, %select_n3A : i32
      %convert_element_type3A_70 = arith.extui %eq3A_69 : i1 to i32
      %cond3A_71 = arith.constant 0 : i32
      %cond3A_72 = arith.cmpi ne, %convert_element_type3A_70, %cond3A_71 : i32
      scf.if %cond3A_72 {
        %and3A_245 = arith.constant 63 : i32
        %and3A_246 = arith.andi %squeeze3A_66, %and3A_245 : i32
        %mul3A_247 = arith.constant 16 : i32
        %mul3A_248 = arith.muli %scan3A_52, %mul3A_247 : i32
        %add3A_249 = arith.constant 1 : i32
        %add3A_250 = arith.addi %mul3A_248, %add3A_249 : i32
        %dma_start3A_251 = arith.constant 0 : i32
        %dma_start3A_252 = tpu.memref_slice %arg5[%and3A_246, %dma_start3A_251] : memref<64x1152xf32, #tpu.memory_space<vmem>> -> memref<1x1152xf32, #tpu.memory_space<vmem>>
        %dma_start3A_253 = tpu.memref_squeeze %dma_start3A_252 : memref<1x1152xf32, #tpu.memory_space<vmem>> -> memref<1152xf32, #tpu.memory_space<vmem>>
        %dma_start3A_254 = tpu.memref_slice %arg4[%add3A_250, %mul3A_34] : memref<2048x18432xf32, #tpu.memory_space<hbm>> -> memref<1x1152xf32, #tpu.memory_space<hbm>>
        %dma_start3A_255 = tpu.memref_squeeze %dma_start3A_254 : memref<1x1152xf32, #tpu.memory_space<hbm>> -> memref<1152xf32, #tpu.memory_space<hbm>>
        %dma_start3A_256 = tpu.memref_slice %arg4[%add3A_250, %mul3A_34] : memref<2048x18432xf32, #tpu.memory_space<hbm>> -> memref<1x1152xf32, #tpu.memory_space<hbm>>
        %dma_start3A_257 = tpu.memref_squeeze %dma_start3A_256 : memref<1x1152xf32, #tpu.memory_space<hbm>> -> memref<1152xf32, #tpu.memory_space<hbm>>
        %dma_start3A_258 = arith.constant 0 : i32
        %dma_start3A_259 = tpu.memref_slice %arg5[%and3A_246, %dma_start3A_258] : memref<64x1152xf32, #tpu.memory_space<vmem>> -> memref<1x1152xf32, #tpu.memory_space<vmem>>
        %dma_start3A_260 = tpu.memref_squeeze %dma_start3A_259 : memref<1x1152xf32, #tpu.memory_space<vmem>> -> memref<1152xf32, #tpu.memory_space<vmem>>
        tpu.enqueue_dma source(%dma_start3A_260 : memref<1152xf32, #tpu.memory_space<vmem>>) target(%dma_start3A_257 : memref<1152xf32, #tpu.memory_space<hbm>>) target_semaphore(%arg8 : memref<!tpu.dma_semaphore, #tpu.memory_space<semaphore_mem>>)
      } else {
      }
      %jit3A_73 = arith.constant 1 : i32
      %jit3A_74 = arith.constant 0 : i32
      %select_n3A_75 = arith.select %eq3A_69, %jit3A_73, %jit3A_74 : i32
      %add3A_76 = arith.addi %add3A_64, %select_n3A_75 : i32
      %slice3A_77 = vector.extract_strided_slice %get3A_57 {offsets = [2], sizes = [1], strides = [1]} : vector<16xi32> to vector<1xi32>
      %squeeze3A_78 = vector.extract %slice3A_77[0] : i32 from vector<1xi32>
      %shift_right_arithmetic3A_79 = arith.constant 6 : i32
      %shift_right_arithmetic3A_80 = arith.shrsi %squeeze3A_78, %shift_right_arithmetic3A_79 : i32
      %eq3A_81 = arith.cmpi eq, %shift_right_arithmetic3A_80, %select_n3A : i32
      %convert_element_type3A_82 = arith.extui %eq3A_81 : i1 to i32
      %cond3A_83 = arith.constant 0 : i32
      %cond3A_84 = arith.cmpi ne, %convert_element_type3A_82, %cond3A_83 : i32
      scf.if %cond3A_84 {
        %and3A_245 = arith.constant 63 : i32
        %and3A_246 = arith.andi %squeeze3A_78, %and3A_245 : i32
        %mul3A_247 = arith.constant 16 : i32
        %mul3A_248 = arith.muli %scan3A_52, %mul3A_247 : i32
        %add3A_249 = arith.constant 2 : i32
        %add3A_250 = arith.addi %mul3A_248, %add3A_249 : i32
        %dma_start3A_251 = arith.constant 0 : i32
        %dma_start3A_252 = tpu.memref_slice %arg5[%and3A_246, %dma_start3A_251] : memref<64x1152xf32, #tpu.memory_space<vmem>> -> memref<1x1152xf32, #tpu.memory_space<vmem>>
        %dma_start3A_253 = tpu.memref_squeeze %dma_start3A_252 : memref<1x1152xf32, #tpu.memory_space<vmem>> -> memref<1152xf32, #tpu.memory_space<vmem>>
        %dma_start3A_254 = tpu.memref_slice %arg4[%add3A_250, %mul3A_34] : memref<2048x18432xf32, #tpu.memory_space<hbm>> -> memref<1x1152xf32, #tpu.memory_space<hbm>>
        %dma_start3A_255 = tpu.memref_squeeze %dma_start3A_254 : memref<1x1152xf32, #tpu.memory_space<hbm>> -> memref<1152xf32, #tpu.memory_space<hbm>>
        %dma_start3A_256 = tpu.memref_slice %arg4[%add3A_250, %mul3A_34] : memref<2048x18432xf32, #tpu.memory_space<hbm>> -> memref<1x1152xf32, #tpu.memory_space<hbm>>
        %dma_start3A_257 = tpu.memref_squeeze %dma_start3A_256 : memref<1x1152xf32, #tpu.memory_space<hbm>> -> memref<1152xf32, #tpu.memory_space<hbm>>
        %dma_start3A_258 = arith.constant 0 : i32
        %dma_start3A_259 = tpu.memref_slice %arg5[%and3A_246, %dma_start3A_258] : memref<64x1152xf32, #tpu.memory_space<vmem>> -> memref<1x1152xf32, #tpu.memory_space<vmem>>
        %dma_start3A_260 = tpu.memref_squeeze %dma_start3A_259 : memref<1x1152xf32, #tpu.memory_space<vmem>> -> memref<1152xf32, #tpu.memory_space<vmem>>
        tpu.enqueue_dma source(%dma_start3A_260 : memref<1152xf32, #tpu.memory_space<vmem>>) target(%dma_start3A_257 : memref<1152xf32, #tpu.memory_space<hbm>>) target_semaphore(%arg8 : memref<!tpu.dma_semaphore, #tpu.memory_space<semaphore_mem>>)
      } else {
      }
      %jit3A_85 = arith.constant 1 : i32
      %jit3A_86 = arith.constant 0 : i32
      %select_n3A_87 = arith.select %eq3A_81, %jit3A_85, %jit3A_86 : i32
      %add3A_88 = arith.addi %add3A_76, %select_n3A_87 : i32
      %slice3A_89 = vector.extract_strided_slice %get3A_57 {offsets = [3], sizes = [1], strides = [1]} : vector<16xi32> to vector<1xi32>
      %squeeze3A_90 = vector.extract %slice3A_89[0] : i32 from vector<1xi32>
      %shift_right_arithmetic3A_91 = arith.constant 6 : i32
      %shift_right_arithmetic3A_92 = arith.shrsi %squeeze3A_90, %shift_right_arithmetic3A_91 : i32
      %eq3A_93 = arith.cmpi eq, %shift_right_arithmetic3A_92, %select_n3A : i32
      %convert_element_type3A_94 = arith.extui %eq3A_93 : i1 to i32
      %cond3A_95 = arith.constant 0 : i32
      %cond3A_96 = arith.cmpi ne, %convert_element_type3A_94, %cond3A_95 : i32
      scf.if %cond3A_96 {
        %and3A_245 = arith.constant 63 : i32
        %and3A_246 = arith.andi %squeeze3A_90, %and3A_245 : i32
        %mul3A_247 = arith.constant 16 : i32
        %mul3A_248 = arith.muli %scan3A_52, %mul3A_247 : i32
        %add3A_249 = arith.constant 3 : i32
        %add3A_250 = arith.addi %mul3A_248, %add3A_249 : i32
        %dma_start3A_251 = arith.constant 0 : i32
        %dma_start3A_252 = tpu.memref_slice %arg5[%and3A_246, %dma_start3A_251] : memref<64x1152xf32, #tpu.memory_space<vmem>> -> memref<1x1152xf32, #tpu.memory_space<vmem>>
        %dma_start3A_253 = tpu.memref_squeeze %dma_start3A_252 : memref<1x1152xf32, #tpu.memory_space<vmem>> -> memref<1152xf32, #tpu.memory_space<vmem>>
        %dma_start3A_254 = tpu.memref_slice %arg4[%add3A_250, %mul3A_34] : memref<2048x18432xf32, #tpu.memory_space<hbm>> -> memref<1x1152xf32, #tpu.memory_space<hbm>>
        %dma_start3A_255 = tpu.memref_squeeze %dma_start3A_254 : memref<1x1152xf32, #tpu.memory_space<hbm>> -> memref<1152xf32, #tpu.memory_space<hbm>>
        %dma_start3A_256 = tpu.memref_slice %arg4[%add3A_250, %mul3A_34] : memref<2048x18432xf32, #tpu.memory_space<hbm>> -> memref<1x1152xf32, #tpu.memory_space<hbm>>
        %dma_start3A_257 = tpu.memref_squeeze %dma_start3A_256 : memref<1x1152xf32, #tpu.memory_space<hbm>> -> memref<1152xf32, #tpu.memory_space<hbm>>
        %dma_start3A_258 = arith.constant 0 : i32
        %dma_start3A_259 = tpu.memref_slice %arg5[%and3A_246, %dma_start3A_258] : memref<64x1152xf32, #tpu.memory_space<vmem>> -> memref<1x1152xf32, #tpu.memory_space<vmem>>
        %dma_start3A_260 = tpu.memref_squeeze %dma_start3A_259 : memref<1x1152xf32, #tpu.memory_space<vmem>> -> memref<1152xf32, #tpu.memory_space<vmem>>
        tpu.enqueue_dma source(%dma_start3A_260 : memref<1152xf32, #tpu.memory_space<vmem>>) target(%dma_start3A_257 : memref<1152xf32, #tpu.memory_space<hbm>>) target_semaphore(%arg8 : memref<!tpu.dma_semaphore, #tpu.memory_space<semaphore_mem>>)
      } else {
      }
      %jit3A_97 = arith.constant 1 : i32
      %jit3A_98 = arith.constant 0 : i32
      %select_n3A_99 = arith.select %eq3A_93, %jit3A_97, %jit3A_98 : i32
      %add3A_100 = arith.addi %add3A_88, %select_n3A_99 : i32
      %slice3A_101 = vector.extract_strided_slice %get3A_57 {offsets = [4], sizes = [1], strides = [1]} : vector<16xi32> to vector<1xi32>
      %squeeze3A_102 = vector.extract %slice3A_101[0] : i32 from vector<1xi32>
      %shift_right_arithmetic3A_103 = arith.constant 6 : i32
      %shift_right_arithmetic3A_104 = arith.shrsi %squeeze3A_102, %shift_right_arithmetic3A_103 : i32
      %eq3A_105 = arith.cmpi eq, %shift_right_arithmetic3A_104, %select_n3A : i32
      %convert_element_type3A_106 = arith.extui %eq3A_105 : i1 to i32
      %cond3A_107 = arith.constant 0 : i32
      %cond3A_108 = arith.cmpi ne, %convert_element_type3A_106, %cond3A_107 : i32
      scf.if %cond3A_108 {
        %and3A_245 = arith.constant 63 : i32
        %and3A_246 = arith.andi %squeeze3A_102, %and3A_245 : i32
        %mul3A_247 = arith.constant 16 : i32
        %mul3A_248 = arith.muli %scan3A_52, %mul3A_247 : i32
        %add3A_249 = arith.constant 4 : i32
        %add3A_250 = arith.addi %mul3A_248, %add3A_249 : i32
        %dma_start3A_251 = arith.constant 0 : i32
        %dma_start3A_252 = tpu.memref_slice %arg5[%and3A_246, %dma_start3A_251] : memref<64x1152xf32, #tpu.memory_space<vmem>> -> memref<1x1152xf32, #tpu.memory_space<vmem>>
        %dma_start3A_253 = tpu.memref_squeeze %dma_start3A_252 : memref<1x1152xf32, #tpu.memory_space<vmem>> -> memref<1152xf32, #tpu.memory_space<vmem>>
        %dma_start3A_254 = tpu.memref_slice %arg4[%add3A_250, %mul3A_34] : memref<2048x18432xf32, #tpu.memory_space<hbm>> -> memref<1x1152xf32, #tpu.memory_space<hbm>>
        %dma_start3A_255 = tpu.memref_squeeze %dma_start3A_254 : memref<1x1152xf32, #tpu.memory_space<hbm>> -> memref<1152xf32, #tpu.memory_space<hbm>>
        %dma_start3A_256 = tpu.memref_slice %arg4[%add3A_250, %mul3A_34] : memref<2048x18432xf32, #tpu.memory_space<hbm>> -> memref<1x1152xf32, #tpu.memory_space<hbm>>
        %dma_start3A_257 = tpu.memref_squeeze %dma_start3A_256 : memref<1x1152xf32, #tpu.memory_space<hbm>> -> memref<1152xf32, #tpu.memory_space<hbm>>
        %dma_start3A_258 = arith.constant 0 : i32
        %dma_start3A_259 = tpu.memref_slice %arg5[%and3A_246, %dma_start3A_258] : memref<64x1152xf32, #tpu.memory_space<vmem>> -> memref<1x1152xf32, #tpu.memory_space<vmem>>
        %dma_start3A_260 = tpu.memref_squeeze %dma_start3A_259 : memref<1x1152xf32, #tpu.memory_space<vmem>> -> memref<1152xf32, #tpu.memory_space<vmem>>
        tpu.enqueue_dma source(%dma_start3A_260 : memref<1152xf32, #tpu.memory_space<vmem>>) target(%dma_start3A_257 : memref<1152xf32, #tpu.memory_space<hbm>>) target_semaphore(%arg8 : memref<!tpu.dma_semaphore, #tpu.memory_space<semaphore_mem>>)
      } else {
      }
      %jit3A_109 = arith.constant 1 : i32
      %jit3A_110 = arith.constant 0 : i32
      %select_n3A_111 = arith.select %eq3A_105, %jit3A_109, %jit3A_110 : i32
      %add3A_112 = arith.addi %add3A_100, %select_n3A_111 : i32
      %slice3A_113 = vector.extract_strided_slice %get3A_57 {offsets = [5], sizes = [1], strides = [1]} : vector<16xi32> to vector<1xi32>
      %squeeze3A_114 = vector.extract %slice3A_113[0] : i32 from vector<1xi32>
      %shift_right_arithmetic3A_115 = arith.constant 6 : i32
      %shift_right_arithmetic3A_116 = arith.shrsi %squeeze3A_114, %shift_right_arithmetic3A_115 : i32
      %eq3A_117 = arith.cmpi eq, %shift_right_arithmetic3A_116, %select_n3A : i32
      %convert_element_type3A_118 = arith.extui %eq3A_117 : i1 to i32
      %cond3A_119 = arith.constant 0 : i32
      %cond3A_120 = arith.cmpi ne, %convert_element_type3A_118, %cond3A_119 : i32
      scf.if %cond3A_120 {
        %and3A_245 = arith.constant 63 : i32
        %and3A_246 = arith.andi %squeeze3A_114, %and3A_245 : i32
        %mul3A_247 = arith.constant 16 : i32
        %mul3A_248 = arith.muli %scan3A_52, %mul3A_247 : i32
        %add3A_249 = arith.constant 5 : i32
        %add3A_250 = arith.addi %mul3A_248, %add3A_249 : i32
        %dma_start3A_251 = arith.constant 0 : i32
        %dma_start3A_252 = tpu.memref_slice %arg5[%and3A_246, %dma_start3A_251] : memref<64x1152xf32, #tpu.memory_space<vmem>> -> memref<1x1152xf32, #tpu.memory_space<vmem>>
        %dma_start3A_253 = tpu.memref_squeeze %dma_start3A_252 : memref<1x1152xf32, #tpu.memory_space<vmem>> -> memref<1152xf32, #tpu.memory_space<vmem>>
        %dma_start3A_254 = tpu.memref_slice %arg4[%add3A_250, %mul3A_34] : memref<2048x18432xf32, #tpu.memory_space<hbm>> -> memref<1x1152xf32, #tpu.memory_space<hbm>>
        %dma_start3A_255 = tpu.memref_squeeze %dma_start3A_254 : memref<1x1152xf32, #tpu.memory_space<hbm>> -> memref<1152xf32, #tpu.memory_space<hbm>>
        %dma_start3A_256 = tpu.memref_slice %arg4[%add3A_250, %mul3A_34] : memref<2048x18432xf32, #tpu.memory_space<hbm>> -> memref<1x1152xf32, #tpu.memory_space<hbm>>
        %dma_start3A_257 = tpu.memref_squeeze %dma_start3A_256 : memref<1x1152xf32, #tpu.memory_space<hbm>> -> memref<1152xf32, #tpu.memory_space<hbm>>
        %dma_start3A_258 = arith.constant 0 : i32
        %dma_start3A_259 = tpu.memref_slice %arg5[%and3A_246, %dma_start3A_258] : memref<64x1152xf32, #tpu.memory_space<vmem>> -> memref<1x1152xf32, #tpu.memory_space<vmem>>
        %dma_start3A_260 = tpu.memref_squeeze %dma_start3A_259 : memref<1x1152xf32, #tpu.memory_space<vmem>> -> memref<1152xf32, #tpu.memory_space<vmem>>
        tpu.enqueue_dma source(%dma_start3A_260 : memref<1152xf32, #tpu.memory_space<vmem>>) target(%dma_start3A_257 : memref<1152xf32, #tpu.memory_space<hbm>>) target_semaphore(%arg8 : memref<!tpu.dma_semaphore, #tpu.memory_space<semaphore_mem>>)
      } else {
      }
      %jit3A_121 = arith.constant 1 : i32
      %jit3A_122 = arith.constant 0 : i32
      %select_n3A_123 = arith.select %eq3A_117, %jit3A_121, %jit3A_122 : i32
      %add3A_124 = arith.addi %add3A_112, %select_n3A_123 : i32
      %slice3A_125 = vector.extract_strided_slice %get3A_57 {offsets = [6], sizes = [1], strides = [1]} : vector<16xi32> to vector<1xi32>
      %squeeze3A_126 = vector.extract %slice3A_125[0] : i32 from vector<1xi32>
      %shift_right_arithmetic3A_127 = arith.constant 6 : i32
      %shift_right_arithmetic3A_128 = arith.shrsi %squeeze3A_126, %shift_right_arithmetic3A_127 : i32
      %eq3A_129 = arith.cmpi eq, %shift_right_arithmetic3A_128, %select_n3A : i32
      %convert_element_type3A_130 = arith.extui %eq3A_129 : i1 to i32
      %cond3A_131 = arith.constant 0 : i32
      %cond3A_132 = arith.cmpi ne, %convert_element_type3A_130, %cond3A_131 : i32
      scf.if %cond3A_132 {
        %and3A_245 = arith.constant 63 : i32
        %and3A_246 = arith.andi %squeeze3A_126, %and3A_245 : i32
        %mul3A_247 = arith.constant 16 : i32
        %mul3A_248 = arith.muli %scan3A_52, %mul3A_247 : i32
        %add3A_249 = arith.constant 6 : i32
        %add3A_250 = arith.addi %mul3A_248, %add3A_249 : i32
        %dma_start3A_251 = arith.constant 0 : i32
        %dma_start3A_252 = tpu.memref_slice %arg5[%and3A_246, %dma_start3A_251] : memref<64x1152xf32, #tpu.memory_space<vmem>> -> memref<1x1152xf32, #tpu.memory_space<vmem>>
        %dma_start3A_253 = tpu.memref_squeeze %dma_start3A_252 : memref<1x1152xf32, #tpu.memory_space<vmem>> -> memref<1152xf32, #tpu.memory_space<vmem>>
        %dma_start3A_254 = tpu.memref_slice %arg4[%add3A_250, %mul3A_34] : memref<2048x18432xf32, #tpu.memory_space<hbm>> -> memref<1x1152xf32, #tpu.memory_space<hbm>>
        %dma_start3A_255 = tpu.memref_squeeze %dma_start3A_254 : memref<1x1152xf32, #tpu.memory_space<hbm>> -> memref<1152xf32, #tpu.memory_space<hbm>>
        %dma_start3A_256 = tpu.memref_slice %arg4[%add3A_250, %mul3A_34] : memref<2048x18432xf32, #tpu.memory_space<hbm>> -> memref<1x1152xf32, #tpu.memory_space<hbm>>
        %dma_start3A_257 = tpu.memref_squeeze %dma_start3A_256 : memref<1x1152xf32, #tpu.memory_space<hbm>> -> memref<1152xf32, #tpu.memory_space<hbm>>
        %dma_start3A_258 = arith.constant 0 : i32
        %dma_start3A_259 = tpu.memref_slice %arg5[%and3A_246, %dma_start3A_258] : memref<64x1152xf32, #tpu.memory_space<vmem>> -> memref<1x1152xf32, #tpu.memory_space<vmem>>
        %dma_start3A_260 = tpu.memref_squeeze %dma_start3A_259 : memref<1x1152xf32, #tpu.memory_space<vmem>> -> memref<1152xf32, #tpu.memory_space<vmem>>
        tpu.enqueue_dma source(%dma_start3A_260 : memref<1152xf32, #tpu.memory_space<vmem>>) target(%dma_start3A_257 : memref<1152xf32, #tpu.memory_space<hbm>>) target_semaphore(%arg8 : memref<!tpu.dma_semaphore, #tpu.memory_space<semaphore_mem>>)
      } else {
      }
      %jit3A_133 = arith.constant 1 : i32
      %jit3A_134 = arith.constant 0 : i32
      %select_n3A_135 = arith.select %eq3A_129, %jit3A_133, %jit3A_134 : i32
      %add3A_136 = arith.addi %add3A_124, %select_n3A_135 : i32
      %slice3A_137 = vector.extract_strided_slice %get3A_57 {offsets = [7], sizes = [1], strides = [1]} : vector<16xi32> to vector<1xi32>
      %squeeze3A_138 = vector.extract %slice3A_137[0] : i32 from vector<1xi32>
      %shift_right_arithmetic3A_139 = arith.constant 6 : i32
      %shift_right_arithmetic3A_140 = arith.shrsi %squeeze3A_138, %shift_right_arithmetic3A_139 : i32
      %eq3A_141 = arith.cmpi eq, %shift_right_arithmetic3A_140, %select_n3A : i32
      %convert_element_type3A_142 = arith.extui %eq3A_141 : i1 to i32
      %cond3A_143 = arith.constant 0 : i32
      %cond3A_144 = arith.cmpi ne, %convert_element_type3A_142, %cond3A_143 : i32
      scf.if %cond3A_144 {
        %and3A_245 = arith.constant 63 : i32
        %and3A_246 = arith.andi %squeeze3A_138, %and3A_245 : i32
        %mul3A_247 = arith.constant 16 : i32
        %mul3A_248 = arith.muli %scan3A_52, %mul3A_247 : i32
        %add3A_249 = arith.constant 7 : i32
        %add3A_250 = arith.addi %mul3A_248, %add3A_249 : i32
        %dma_start3A_251 = arith.constant 0 : i32
        %dma_start3A_252 = tpu.memref_slice %arg5[%and3A_246, %dma_start3A_251] : memref<64x1152xf32, #tpu.memory_space<vmem>> -> memref<1x1152xf32, #tpu.memory_space<vmem>>
        %dma_start3A_253 = tpu.memref_squeeze %dma_start3A_252 : memref<1x1152xf32, #tpu.memory_space<vmem>> -> memref<1152xf32, #tpu.memory_space<vmem>>
        %dma_start3A_254 = tpu.memref_slice %arg4[%add3A_250, %mul3A_34] : memref<2048x18432xf32, #tpu.memory_space<hbm>> -> memref<1x1152xf32, #tpu.memory_space<hbm>>
        %dma_start3A_255 = tpu.memref_squeeze %dma_start3A_254 : memref<1x1152xf32, #tpu.memory_space<hbm>> -> memref<1152xf32, #tpu.memory_space<hbm>>
        %dma_start3A_256 = tpu.memref_slice %arg4[%add3A_250, %mul3A_34] : memref<2048x18432xf32, #tpu.memory_space<hbm>> -> memref<1x1152xf32, #tpu.memory_space<hbm>>
        %dma_start3A_257 = tpu.memref_squeeze %dma_start3A_256 : memref<1x1152xf32, #tpu.memory_space<hbm>> -> memref<1152xf32, #tpu.memory_space<hbm>>
        %dma_start3A_258 = arith.constant 0 : i32
        %dma_start3A_259 = tpu.memref_slice %arg5[%and3A_246, %dma_start3A_258] : memref<64x1152xf32, #tpu.memory_space<vmem>> -> memref<1x1152xf32, #tpu.memory_space<vmem>>
        %dma_start3A_260 = tpu.memref_squeeze %dma_start3A_259 : memref<1x1152xf32, #tpu.memory_space<vmem>> -> memref<1152xf32, #tpu.memory_space<vmem>>
        tpu.enqueue_dma source(%dma_start3A_260 : memref<1152xf32, #tpu.memory_space<vmem>>) target(%dma_start3A_257 : memref<1152xf32, #tpu.memory_space<hbm>>) target_semaphore(%arg8 : memref<!tpu.dma_semaphore, #tpu.memory_space<semaphore_mem>>)
      } else {
      }
      %jit3A_145 = arith.constant 1 : i32
      %jit3A_146 = arith.constant 0 : i32
      %select_n3A_147 = arith.select %eq3A_141, %jit3A_145, %jit3A_146 : i32
      %add3A_148 = arith.addi %add3A_136, %select_n3A_147 : i32
      %slice3A_149 = vector.extract_strided_slice %get3A_57 {offsets = [8], sizes = [1], strides = [1]} : vector<16xi32> to vector<1xi32>
      %squeeze3A_150 = vector.extract %slice3A_149[0] : i32 from vector<1xi32>
      %shift_right_arithmetic3A_151 = arith.constant 6 : i32
      %shift_right_arithmetic3A_152 = arith.shrsi %squeeze3A_150, %shift_right_arithmetic3A_151 : i32
      %eq3A_153 = arith.cmpi eq, %shift_right_arithmetic3A_152, %select_n3A : i32
      %convert_element_type3A_154 = arith.extui %eq3A_153 : i1 to i32
      %cond3A_155 = arith.constant 0 : i32
      %cond3A_156 = arith.cmpi ne, %convert_element_type3A_154, %cond3A_155 : i32
      scf.if %cond3A_156 {
        %and3A_245 = arith.constant 63 : i32
        %and3A_246 = arith.andi %squeeze3A_150, %and3A_245 : i32
        %mul3A_247 = arith.constant 16 : i32
        %mul3A_248 = arith.muli %scan3A_52, %mul3A_247 : i32
        %add3A_249 = arith.constant 8 : i32
        %add3A_250 = arith.addi %mul3A_248, %add3A_249 : i32
        %dma_start3A_251 = arith.constant 0 : i32
        %dma_start3A_252 = tpu.memref_slice %arg5[%and3A_246, %dma_start3A_251] : memref<64x1152xf32, #tpu.memory_space<vmem>> -> memref<1x1152xf32, #tpu.memory_space<vmem>>
        %dma_start3A_253 = tpu.memref_squeeze %dma_start3A_252 : memref<1x1152xf32, #tpu.memory_space<vmem>> -> memref<1152xf32, #tpu.memory_space<vmem>>
        %dma_start3A_254 = tpu.memref_slice %arg4[%add3A_250, %mul3A_34] : memref<2048x18432xf32, #tpu.memory_space<hbm>> -> memref<1x1152xf32, #tpu.memory_space<hbm>>
        %dma_start3A_255 = tpu.memref_squeeze %dma_start3A_254 : memref<1x1152xf32, #tpu.memory_space<hbm>> -> memref<1152xf32, #tpu.memory_space<hbm>>
        %dma_start3A_256 = tpu.memref_slice %arg4[%add3A_250, %mul3A_34] : memref<2048x18432xf32, #tpu.memory_space<hbm>> -> memref<1x1152xf32, #tpu.memory_space<hbm>>
        %dma_start3A_257 = tpu.memref_squeeze %dma_start3A_256 : memref<1x1152xf32, #tpu.memory_space<hbm>> -> memref<1152xf32, #tpu.memory_space<hbm>>
        %dma_start3A_258 = arith.constant 0 : i32
        %dma_start3A_259 = tpu.memref_slice %arg5[%and3A_246, %dma_start3A_258] : memref<64x1152xf32, #tpu.memory_space<vmem>> -> memref<1x1152xf32, #tpu.memory_space<vmem>>
        %dma_start3A_260 = tpu.memref_squeeze %dma_start3A_259 : memref<1x1152xf32, #tpu.memory_space<vmem>> -> memref<1152xf32, #tpu.memory_space<vmem>>
        tpu.enqueue_dma source(%dma_start3A_260 : memref<1152xf32, #tpu.memory_space<vmem>>) target(%dma_start3A_257 : memref<1152xf32, #tpu.memory_space<hbm>>) target_semaphore(%arg8 : memref<!tpu.dma_semaphore, #tpu.memory_space<semaphore_mem>>)
      } else {
      }
      %jit3A_157 = arith.constant 1 : i32
      %jit3A_158 = arith.constant 0 : i32
      %select_n3A_159 = arith.select %eq3A_153, %jit3A_157, %jit3A_158 : i32
      %add3A_160 = arith.addi %add3A_148, %select_n3A_159 : i32
      %slice3A_161 = vector.extract_strided_slice %get3A_57 {offsets = [9], sizes = [1], strides = [1]} : vector<16xi32> to vector<1xi32>
      %squeeze3A_162 = vector.extract %slice3A_161[0] : i32 from vector<1xi32>
      %shift_right_arithmetic3A_163 = arith.constant 6 : i32
      %shift_right_arithmetic3A_164 = arith.shrsi %squeeze3A_162, %shift_right_arithmetic3A_163 : i32
      %eq3A_165 = arith.cmpi eq, %shift_right_arithmetic3A_164, %select_n3A : i32
      %convert_element_type3A_166 = arith.extui %eq3A_165 : i1 to i32
      %cond3A_167 = arith.constant 0 : i32
      %cond3A_168 = arith.cmpi ne, %convert_element_type3A_166, %cond3A_167 : i32
      scf.if %cond3A_168 {
        %and3A_245 = arith.constant 63 : i32
        %and3A_246 = arith.andi %squeeze3A_162, %and3A_245 : i32
        %mul3A_247 = arith.constant 16 : i32
        %mul3A_248 = arith.muli %scan3A_52, %mul3A_247 : i32
        %add3A_249 = arith.constant 9 : i32
        %add3A_250 = arith.addi %mul3A_248, %add3A_249 : i32
        %dma_start3A_251 = arith.constant 0 : i32
        %dma_start3A_252 = tpu.memref_slice %arg5[%and3A_246, %dma_start3A_251] : memref<64x1152xf32, #tpu.memory_space<vmem>> -> memref<1x1152xf32, #tpu.memory_space<vmem>>
        %dma_start3A_253 = tpu.memref_squeeze %dma_start3A_252 : memref<1x1152xf32, #tpu.memory_space<vmem>> -> memref<1152xf32, #tpu.memory_space<vmem>>
        %dma_start3A_254 = tpu.memref_slice %arg4[%add3A_250, %mul3A_34] : memref<2048x18432xf32, #tpu.memory_space<hbm>> -> memref<1x1152xf32, #tpu.memory_space<hbm>>
        %dma_start3A_255 = tpu.memref_squeeze %dma_start3A_254 : memref<1x1152xf32, #tpu.memory_space<hbm>> -> memref<1152xf32, #tpu.memory_space<hbm>>
        %dma_start3A_256 = tpu.memref_slice %arg4[%add3A_250, %mul3A_34] : memref<2048x18432xf32, #tpu.memory_space<hbm>> -> memref<1x1152xf32, #tpu.memory_space<hbm>>
        %dma_start3A_257 = tpu.memref_squeeze %dma_start3A_256 : memref<1x1152xf32, #tpu.memory_space<hbm>> -> memref<1152xf32, #tpu.memory_space<hbm>>
        %dma_start3A_258 = arith.constant 0 : i32
        %dma_start3A_259 = tpu.memref_slice %arg5[%and3A_246, %dma_start3A_258] : memref<64x1152xf32, #tpu.memory_space<vmem>> -> memref<1x1152xf32, #tpu.memory_space<vmem>>
        %dma_start3A_260 = tpu.memref_squeeze %dma_start3A_259 : memref<1x1152xf32, #tpu.memory_space<vmem>> -> memref<1152xf32, #tpu.memory_space<vmem>>
        tpu.enqueue_dma source(%dma_start3A_260 : memref<1152xf32, #tpu.memory_space<vmem>>) target(%dma_start3A_257 : memref<1152xf32, #tpu.memory_space<hbm>>) target_semaphore(%arg8 : memref<!tpu.dma_semaphore, #tpu.memory_space<semaphore_mem>>)
      } else {
      }
      %jit3A_169 = arith.constant 1 : i32
      %jit3A_170 = arith.constant 0 : i32
      %select_n3A_171 = arith.select %eq3A_165, %jit3A_169, %jit3A_170 : i32
      %add3A_172 = arith.addi %add3A_160, %select_n3A_171 : i32
      %slice3A_173 = vector.extract_strided_slice %get3A_57 {offsets = [10], sizes = [1], strides = [1]} : vector<16xi32> to vector<1xi32>
      %squeeze3A_174 = vector.extract %slice3A_173[0] : i32 from vector<1xi32>
      %shift_right_arithmetic3A_175 = arith.constant 6 : i32
      %shift_right_arithmetic3A_176 = arith.shrsi %squeeze3A_174, %shift_right_arithmetic3A_175 : i32
      %eq3A_177 = arith.cmpi eq, %shift_right_arithmetic3A_176, %select_n3A : i32
      %convert_element_type3A_178 = arith.extui %eq3A_177 : i1 to i32
      %cond3A_179 = arith.constant 0 : i32
      %cond3A_180 = arith.cmpi ne, %convert_element_type3A_178, %cond3A_179 : i32
      scf.if %cond3A_180 {
        %and3A_245 = arith.constant 63 : i32
        %and3A_246 = arith.andi %squeeze3A_174, %and3A_245 : i32
        %mul3A_247 = arith.constant 16 : i32
        %mul3A_248 = arith.muli %scan3A_52, %mul3A_247 : i32
        %add3A_249 = arith.constant 10 : i32
        %add3A_250 = arith.addi %mul3A_248, %add3A_249 : i32
        %dma_start3A_251 = arith.constant 0 : i32
        %dma_start3A_252 = tpu.memref_slice %arg5[%and3A_246, %dma_start3A_251] : memref<64x1152xf32, #tpu.memory_space<vmem>> -> memref<1x1152xf32, #tpu.memory_space<vmem>>
        %dma_start3A_253 = tpu.memref_squeeze %dma_start3A_252 : memref<1x1152xf32, #tpu.memory_space<vmem>> -> memref<1152xf32, #tpu.memory_space<vmem>>
        %dma_start3A_254 = tpu.memref_slice %arg4[%add3A_250, %mul3A_34] : memref<2048x18432xf32, #tpu.memory_space<hbm>> -> memref<1x1152xf32, #tpu.memory_space<hbm>>
        %dma_start3A_255 = tpu.memref_squeeze %dma_start3A_254 : memref<1x1152xf32, #tpu.memory_space<hbm>> -> memref<1152xf32, #tpu.memory_space<hbm>>
        %dma_start3A_256 = tpu.memref_slice %arg4[%add3A_250, %mul3A_34] : memref<2048x18432xf32, #tpu.memory_space<hbm>> -> memref<1x1152xf32, #tpu.memory_space<hbm>>
        %dma_start3A_257 = tpu.memref_squeeze %dma_start3A_256 : memref<1x1152xf32, #tpu.memory_space<hbm>> -> memref<1152xf32, #tpu.memory_space<hbm>>
        %dma_start3A_258 = arith.constant 0 : i32
        %dma_start3A_259 = tpu.memref_slice %arg5[%and3A_246, %dma_start3A_258] : memref<64x1152xf32, #tpu.memory_space<vmem>> -> memref<1x1152xf32, #tpu.memory_space<vmem>>
        %dma_start3A_260 = tpu.memref_squeeze %dma_start3A_259 : memref<1x1152xf32, #tpu.memory_space<vmem>> -> memref<1152xf32, #tpu.memory_space<vmem>>
        tpu.enqueue_dma source(%dma_start3A_260 : memref<1152xf32, #tpu.memory_space<vmem>>) target(%dma_start3A_257 : memref<1152xf32, #tpu.memory_space<hbm>>) target_semaphore(%arg8 : memref<!tpu.dma_semaphore, #tpu.memory_space<semaphore_mem>>)
      } else {
      }
      %jit3A_181 = arith.constant 1 : i32
      %jit3A_182 = arith.constant 0 : i32
      %select_n3A_183 = arith.select %eq3A_177, %jit3A_181, %jit3A_182 : i32
      %add3A_184 = arith.addi %add3A_172, %select_n3A_183 : i32
      %slice3A_185 = vector.extract_strided_slice %get3A_57 {offsets = [11], sizes = [1], strides = [1]} : vector<16xi32> to vector<1xi32>
      %squeeze3A_186 = vector.extract %slice3A_185[0] : i32 from vector<1xi32>
      %shift_right_arithmetic3A_187 = arith.constant 6 : i32
      %shift_right_arithmetic3A_188 = arith.shrsi %squeeze3A_186, %shift_right_arithmetic3A_187 : i32
      %eq3A_189 = arith.cmpi eq, %shift_right_arithmetic3A_188, %select_n3A : i32
      %convert_element_type3A_190 = arith.extui %eq3A_189 : i1 to i32
      %cond3A_191 = arith.constant 0 : i32
      %cond3A_192 = arith.cmpi ne, %convert_element_type3A_190, %cond3A_191 : i32
      scf.if %cond3A_192 {
        %and3A_245 = arith.constant 63 : i32
        %and3A_246 = arith.andi %squeeze3A_186, %and3A_245 : i32
        %mul3A_247 = arith.constant 16 : i32
        %mul3A_248 = arith.muli %scan3A_52, %mul3A_247 : i32
        %add3A_249 = arith.constant 11 : i32
        %add3A_250 = arith.addi %mul3A_248, %add3A_249 : i32
        %dma_start3A_251 = arith.constant 0 : i32
        %dma_start3A_252 = tpu.memref_slice %arg5[%and3A_246, %dma_start3A_251] : memref<64x1152xf32, #tpu.memory_space<vmem>> -> memref<1x1152xf32, #tpu.memory_space<vmem>>
        %dma_start3A_253 = tpu.memref_squeeze %dma_start3A_252 : memref<1x1152xf32, #tpu.memory_space<vmem>> -> memref<1152xf32, #tpu.memory_space<vmem>>
        %dma_start3A_254 = tpu.memref_slice %arg4[%add3A_250, %mul3A_34] : memref<2048x18432xf32, #tpu.memory_space<hbm>> -> memref<1x1152xf32, #tpu.memory_space<hbm>>
        %dma_start3A_255 = tpu.memref_squeeze %dma_start3A_254 : memref<1x1152xf32, #tpu.memory_space<hbm>> -> memref<1152xf32, #tpu.memory_space<hbm>>
        %dma_start3A_256 = tpu.memref_slice %arg4[%add3A_250, %mul3A_34] : memref<2048x18432xf32, #tpu.memory_space<hbm>> -> memref<1x1152xf32, #tpu.memory_space<hbm>>
        %dma_start3A_257 = tpu.memref_squeeze %dma_start3A_256 : memref<1x1152xf32, #tpu.memory_space<hbm>> -> memref<1152xf32, #tpu.memory_space<hbm>>
        %dma_start3A_258 = arith.constant 0 : i32
        %dma_start3A_259 = tpu.memref_slice %arg5[%and3A_246, %dma_start3A_258] : memref<64x1152xf32, #tpu.memory_space<vmem>> -> memref<1x1152xf32, #tpu.memory_space<vmem>>
        %dma_start3A_260 = tpu.memref_squeeze %dma_start3A_259 : memref<1x1152xf32, #tpu.memory_space<vmem>> -> memref<1152xf32, #tpu.memory_space<vmem>>
        tpu.enqueue_dma source(%dma_start3A_260 : memref<1152xf32, #tpu.memory_space<vmem>>) target(%dma_start3A_257 : memref<1152xf32, #tpu.memory_space<hbm>>) target_semaphore(%arg8 : memref<!tpu.dma_semaphore, #tpu.memory_space<semaphore_mem>>)
      } else {
      }
      %jit3A_193 = arith.constant 1 : i32
      %jit3A_194 = arith.constant 0 : i32
      %select_n3A_195 = arith.select %eq3A_189, %jit3A_193, %jit3A_194 : i32
      %add3A_196 = arith.addi %add3A_184, %select_n3A_195 : i32
      %slice3A_197 = vector.extract_strided_slice %get3A_57 {offsets = [12], sizes = [1], strides = [1]} : vector<16xi32> to vector<1xi32>
      %squeeze3A_198 = vector.extract %slice3A_197[0] : i32 from vector<1xi32>
      %shift_right_arithmetic3A_199 = arith.constant 6 : i32
      %shift_right_arithmetic3A_200 = arith.shrsi %squeeze3A_198, %shift_right_arithmetic3A_199 : i32
      %eq3A_201 = arith.cmpi eq, %shift_right_arithmetic3A_200, %select_n3A : i32
      %convert_element_type3A_202 = arith.extui %eq3A_201 : i1 to i32
      %cond3A_203 = arith.constant 0 : i32
      %cond3A_204 = arith.cmpi ne, %convert_element_type3A_202, %cond3A_203 : i32
      scf.if %cond3A_204 {
        %and3A_245 = arith.constant 63 : i32
        %and3A_246 = arith.andi %squeeze3A_198, %and3A_245 : i32
        %mul3A_247 = arith.constant 16 : i32
        %mul3A_248 = arith.muli %scan3A_52, %mul3A_247 : i32
        %add3A_249 = arith.constant 12 : i32
        %add3A_250 = arith.addi %mul3A_248, %add3A_249 : i32
        %dma_start3A_251 = arith.constant 0 : i32
        %dma_start3A_252 = tpu.memref_slice %arg5[%and3A_246, %dma_start3A_251] : memref<64x1152xf32, #tpu.memory_space<vmem>> -> memref<1x1152xf32, #tpu.memory_space<vmem>>
        %dma_start3A_253 = tpu.memref_squeeze %dma_start3A_252 : memref<1x1152xf32, #tpu.memory_space<vmem>> -> memref<1152xf32, #tpu.memory_space<vmem>>
        %dma_start3A_254 = tpu.memref_slice %arg4[%add3A_250, %mul3A_34] : memref<2048x18432xf32, #tpu.memory_space<hbm>> -> memref<1x1152xf32, #tpu.memory_space<hbm>>
        %dma_start3A_255 = tpu.memref_squeeze %dma_start3A_254 : memref<1x1152xf32, #tpu.memory_space<hbm>> -> memref<1152xf32, #tpu.memory_space<hbm>>
        %dma_start3A_256 = tpu.memref_slice %arg4[%add3A_250, %mul3A_34] : memref<2048x18432xf32, #tpu.memory_space<hbm>> -> memref<1x1152xf32, #tpu.memory_space<hbm>>
        %dma_start3A_257 = tpu.memref_squeeze %dma_start3A_256 : memref<1x1152xf32, #tpu.memory_space<hbm>> -> memref<1152xf32, #tpu.memory_space<hbm>>
        %dma_start3A_258 = arith.constant 0 : i32
        %dma_start3A_259 = tpu.memref_slice %arg5[%and3A_246, %dma_start3A_258] : memref<64x1152xf32, #tpu.memory_space<vmem>> -> memref<1x1152xf32, #tpu.memory_space<vmem>>
        %dma_start3A_260 = tpu.memref_squeeze %dma_start3A_259 : memref<1x1152xf32, #tpu.memory_space<vmem>> -> memref<1152xf32, #tpu.memory_space<vmem>>
        tpu.enqueue_dma source(%dma_start3A_260 : memref<1152xf32, #tpu.memory_space<vmem>>) target(%dma_start3A_257 : memref<1152xf32, #tpu.memory_space<hbm>>) target_semaphore(%arg8 : memref<!tpu.dma_semaphore, #tpu.memory_space<semaphore_mem>>)
      } else {
      }
      %jit3A_205 = arith.constant 1 : i32
      %jit3A_206 = arith.constant 0 : i32
      %select_n3A_207 = arith.select %eq3A_201, %jit3A_205, %jit3A_206 : i32
      %add3A_208 = arith.addi %add3A_196, %select_n3A_207 : i32
      %slice3A_209 = vector.extract_strided_slice %get3A_57 {offsets = [13], sizes = [1], strides = [1]} : vector<16xi32> to vector<1xi32>
      %squeeze3A_210 = vector.extract %slice3A_209[0] : i32 from vector<1xi32>
      %shift_right_arithmetic3A_211 = arith.constant 6 : i32
      %shift_right_arithmetic3A_212 = arith.shrsi %squeeze3A_210, %shift_right_arithmetic3A_211 : i32
      %eq3A_213 = arith.cmpi eq, %shift_right_arithmetic3A_212, %select_n3A : i32
      %convert_element_type3A_214 = arith.extui %eq3A_213 : i1 to i32
      %cond3A_215 = arith.constant 0 : i32
      %cond3A_216 = arith.cmpi ne, %convert_element_type3A_214, %cond3A_215 : i32
      scf.if %cond3A_216 {
        %and3A_245 = arith.constant 63 : i32
        %and3A_246 = arith.andi %squeeze3A_210, %and3A_245 : i32
        %mul3A_247 = arith.constant 16 : i32
        %mul3A_248 = arith.muli %scan3A_52, %mul3A_247 : i32
        %add3A_249 = arith.constant 13 : i32
        %add3A_250 = arith.addi %mul3A_248, %add3A_249 : i32
        %dma_start3A_251 = arith.constant 0 : i32
        %dma_start3A_252 = tpu.memref_slice %arg5[%and3A_246, %dma_start3A_251] : memref<64x1152xf32, #tpu.memory_space<vmem>> -> memref<1x1152xf32, #tpu.memory_space<vmem>>
        %dma_start3A_253 = tpu.memref_squeeze %dma_start3A_252 : memref<1x1152xf32, #tpu.memory_space<vmem>> -> memref<1152xf32, #tpu.memory_space<vmem>>
        %dma_start3A_254 = tpu.memref_slice %arg4[%add3A_250, %mul3A_34] : memref<2048x18432xf32, #tpu.memory_space<hbm>> -> memref<1x1152xf32, #tpu.memory_space<hbm>>
        %dma_start3A_255 = tpu.memref_squeeze %dma_start3A_254 : memref<1x1152xf32, #tpu.memory_space<hbm>> -> memref<1152xf32, #tpu.memory_space<hbm>>
        %dma_start3A_256 = tpu.memref_slice %arg4[%add3A_250, %mul3A_34] : memref<2048x18432xf32, #tpu.memory_space<hbm>> -> memref<1x1152xf32, #tpu.memory_space<hbm>>
        %dma_start3A_257 = tpu.memref_squeeze %dma_start3A_256 : memref<1x1152xf32, #tpu.memory_space<hbm>> -> memref<1152xf32, #tpu.memory_space<hbm>>
        %dma_start3A_258 = arith.constant 0 : i32
        %dma_start3A_259 = tpu.memref_slice %arg5[%and3A_246, %dma_start3A_258] : memref<64x1152xf32, #tpu.memory_space<vmem>> -> memref<1x1152xf32, #tpu.memory_space<vmem>>
        %dma_start3A_260 = tpu.memref_squeeze %dma_start3A_259 : memref<1x1152xf32, #tpu.memory_space<vmem>> -> memref<1152xf32, #tpu.memory_space<vmem>>
        tpu.enqueue_dma source(%dma_start3A_260 : memref<1152xf32, #tpu.memory_space<vmem>>) target(%dma_start3A_257 : memref<1152xf32, #tpu.memory_space<hbm>>) target_semaphore(%arg8 : memref<!tpu.dma_semaphore, #tpu.memory_space<semaphore_mem>>)
      } else {
      }
      %jit3A_217 = arith.constant 1 : i32
      %jit3A_218 = arith.constant 0 : i32
      %select_n3A_219 = arith.select %eq3A_213, %jit3A_217, %jit3A_218 : i32
      %add3A_220 = arith.addi %add3A_208, %select_n3A_219 : i32
      %slice3A_221 = vector.extract_strided_slice %get3A_57 {offsets = [14], sizes = [1], strides = [1]} : vector<16xi32> to vector<1xi32>
      %squeeze3A_222 = vector.extract %slice3A_221[0] : i32 from vector<1xi32>
      %shift_right_arithmetic3A_223 = arith.constant 6 : i32
      %shift_right_arithmetic3A_224 = arith.shrsi %squeeze3A_222, %shift_right_arithmetic3A_223 : i32
      %eq3A_225 = arith.cmpi eq, %shift_right_arithmetic3A_224, %select_n3A : i32
      %convert_element_type3A_226 = arith.extui %eq3A_225 : i1 to i32
      %cond3A_227 = arith.constant 0 : i32
      %cond3A_228 = arith.cmpi ne, %convert_element_type3A_226, %cond3A_227 : i32
      scf.if %cond3A_228 {
        %and3A_245 = arith.constant 63 : i32
        %and3A_246 = arith.andi %squeeze3A_222, %and3A_245 : i32
        %mul3A_247 = arith.constant 16 : i32
        %mul3A_248 = arith.muli %scan3A_52, %mul3A_247 : i32
        %add3A_249 = arith.constant 14 : i32
        %add3A_250 = arith.addi %mul3A_248, %add3A_249 : i32
        %dma_start3A_251 = arith.constant 0 : i32
        %dma_start3A_252 = tpu.memref_slice %arg5[%and3A_246, %dma_start3A_251] : memref<64x1152xf32, #tpu.memory_space<vmem>> -> memref<1x1152xf32, #tpu.memory_space<vmem>>
        %dma_start3A_253 = tpu.memref_squeeze %dma_start3A_252 : memref<1x1152xf32, #tpu.memory_space<vmem>> -> memref<1152xf32, #tpu.memory_space<vmem>>
        %dma_start3A_254 = tpu.memref_slice %arg4[%add3A_250, %mul3A_34] : memref<2048x18432xf32, #tpu.memory_space<hbm>> -> memref<1x1152xf32, #tpu.memory_space<hbm>>
        %dma_start3A_255 = tpu.memref_squeeze %dma_start3A_254 : memref<1x1152xf32, #tpu.memory_space<hbm>> -> memref<1152xf32, #tpu.memory_space<hbm>>
        %dma_start3A_256 = tpu.memref_slice %arg4[%add3A_250, %mul3A_34] : memref<2048x18432xf32, #tpu.memory_space<hbm>> -> memref<1x1152xf32, #tpu.memory_space<hbm>>
        %dma_start3A_257 = tpu.memref_squeeze %dma_start3A_256 : memref<1x1152xf32, #tpu.memory_space<hbm>> -> memref<1152xf32, #tpu.memory_space<hbm>>
        %dma_start3A_258 = arith.constant 0 : i32
        %dma_start3A_259 = tpu.memref_slice %arg5[%and3A_246, %dma_start3A_258] : memref<64x1152xf32, #tpu.memory_space<vmem>> -> memref<1x1152xf32, #tpu.memory_space<vmem>>
        %dma_start3A_260 = tpu.memref_squeeze %dma_start3A_259 : memref<1x1152xf32, #tpu.memory_space<vmem>> -> memref<1152xf32, #tpu.memory_space<vmem>>
        tpu.enqueue_dma source(%dma_start3A_260 : memref<1152xf32, #tpu.memory_space<vmem>>) target(%dma_start3A_257 : memref<1152xf32, #tpu.memory_space<hbm>>) target_semaphore(%arg8 : memref<!tpu.dma_semaphore, #tpu.memory_space<semaphore_mem>>)
      } else {
      }
      %jit3A_229 = arith.constant 1 : i32
      %jit3A_230 = arith.constant 0 : i32
      %select_n3A_231 = arith.select %eq3A_225, %jit3A_229, %jit3A_230 : i32
      %add3A_232 = arith.addi %add3A_220, %select_n3A_231 : i32
      %slice3A_233 = vector.extract_strided_slice %get3A_57 {offsets = [15], sizes = [1], strides = [1]} : vector<16xi32> to vector<1xi32>
      %squeeze3A_234 = vector.extract %slice3A_233[0] : i32 from vector<1xi32>
      %shift_right_arithmetic3A_235 = arith.constant 6 : i32
      %shift_right_arithmetic3A_236 = arith.shrsi %squeeze3A_234, %shift_right_arithmetic3A_235 : i32
      %eq3A_237 = arith.cmpi eq, %shift_right_arithmetic3A_236, %select_n3A : i32
      %convert_element_type3A_238 = arith.extui %eq3A_237 : i1 to i32
      %cond3A_239 = arith.constant 0 : i32
      %cond3A_240 = arith.cmpi ne, %convert_element_type3A_238, %cond3A_239 : i32
      scf.if %cond3A_240 {
        %and3A_245 = arith.constant 63 : i32
        %and3A_246 = arith.andi %squeeze3A_234, %and3A_245 : i32
        %mul3A_247 = arith.constant 16 : i32
        %mul3A_248 = arith.muli %scan3A_52, %mul3A_247 : i32
        %add3A_249 = arith.constant 15 : i32
        %add3A_250 = arith.addi %mul3A_248, %add3A_249 : i32
        %dma_start3A_251 = arith.constant 0 : i32
        %dma_start3A_252 = tpu.memref_slice %arg5[%and3A_246, %dma_start3A_251] : memref<64x1152xf32, #tpu.memory_space<vmem>> -> memref<1x1152xf32, #tpu.memory_space<vmem>>
        %dma_start3A_253 = tpu.memref_squeeze %dma_start3A_252 : memref<1x1152xf32, #tpu.memory_space<vmem>> -> memref<1152xf32, #tpu.memory_space<vmem>>
        %dma_start3A_254 = tpu.memref_slice %arg4[%add3A_250, %mul3A_34] : memref<2048x18432xf32, #tpu.memory_space<hbm>> -> memref<1x1152xf32, #tpu.memory_space<hbm>>
        %dma_start3A_255 = tpu.memref_squeeze %dma_start3A_254 : memref<1x1152xf32, #tpu.memory_space<hbm>> -> memref<1152xf32, #tpu.memory_space<hbm>>
        %dma_start3A_256 = tpu.memref_slice %arg4[%add3A_250, %mul3A_34] : memref<2048x18432xf32, #tpu.memory_space<hbm>> -> memref<1x1152xf32, #tpu.memory_space<hbm>>
        %dma_start3A_257 = tpu.memref_squeeze %dma_start3A_256 : memref<1x1152xf32, #tpu.memory_space<hbm>> -> memref<1152xf32, #tpu.memory_space<hbm>>
        %dma_start3A_258 = arith.constant 0 : i32
        %dma_start3A_259 = tpu.memref_slice %arg5[%and3A_246, %dma_start3A_258] : memref<64x1152xf32, #tpu.memory_space<vmem>> -> memref<1x1152xf32, #tpu.memory_space<vmem>>
        %dma_start3A_260 = tpu.memref_squeeze %dma_start3A_259 : memref<1x1152xf32, #tpu.memory_space<vmem>> -> memref<1152xf32, #tpu.memory_space<vmem>>
        tpu.enqueue_dma source(%dma_start3A_260 : memref<1152xf32, #tpu.memory_space<vmem>>) target(%dma_start3A_257 : memref<1152xf32, #tpu.memory_space<hbm>>) target_semaphore(%arg8 : memref<!tpu.dma_semaphore, #tpu.memory_space<semaphore_mem>>)
      } else {
      }
      %jit3A_241 = arith.constant 1 : i32
      %jit3A_242 = arith.constant 0 : i32
      %select_n3A_243 = arith.select %eq3A_237, %jit3A_241, %jit3A_242 : i32
      %add3A_244 = arith.addi %add3A_232, %select_n3A_243 : i32
      scf.yield %add3A_244 : i32
    }
    %scan3A_42 = arith.constant 128 : i32
    %while3A = arith.constant 0 : i32
    %while3A_43 = arith.constant 0 : i32
    %while3A_44 = arith.subi %scan3A_41, %while3A_43 : i32
    %while3A_45 = arith.addi %while3A_43, %while3A_44 : i32
    %while3A_46 = arith.constant 1 : i32
    %while3A_47 = arith.divsi %while3A_44, %while3A_46 : i32
    %while3A_48 = arith.muli %while3A_47, %while3A_46 : i32
    %while3A_49 = arith.addi %while3A_43, %while3A_48 : i32
    %while3A_50 = arith.constant 1 : i32
    scf.for %while3A_52 = %while3A_43 to %while3A_49 step %while3A_50  : i32 {
      %dma_wait3A_53 = arith.constant 0 : i32
      %dma_wait3A_54 = arith.constant 0 : i32
      %dma_wait3A_55 = arith.constant 0 : i32
      %dma_wait3A_56 = tpu.memref_slice %arg5[%dma_wait3A_53, %dma_wait3A_55] : memref<64x1152xf32, #tpu.memory_space<vmem>> -> memref<1x1152xf32, #tpu.memory_space<vmem>>
      %dma_wait3A_57 = tpu.memref_squeeze %dma_wait3A_56 : memref<1x1152xf32, #tpu.memory_space<vmem>> -> memref<1152xf32, #tpu.memory_space<vmem>>
      %dma_wait3A_58 = tpu.memref_slice %arg4[%dma_wait3A_54, %mul3A_34] : memref<2048x18432xf32, #tpu.memory_space<hbm>> -> memref<1x1152xf32, #tpu.memory_space<hbm>>
      %dma_wait3A_59 = tpu.memref_squeeze %dma_wait3A_58 : memref<1x1152xf32, #tpu.memory_space<hbm>> -> memref<1152xf32, #tpu.memory_space<hbm>>
      %dma_wait3A_60 = tpu.memref_slice %arg4[%dma_wait3A_54, %mul3A_34] : memref<2048x18432xf32, #tpu.memory_space<hbm>> -> memref<1x1152xf32, #tpu.memory_space<hbm>>
      %dma_wait3A_61 = tpu.memref_squeeze %dma_wait3A_60 : memref<1x1152xf32, #tpu.memory_space<hbm>> -> memref<1152xf32, #tpu.memory_space<hbm>>
      %dma_wait3A_62 = arith.constant 0 : i32
      %dma_wait3A_63 = tpu.memref_slice %arg5[%dma_wait3A_53, %dma_wait3A_62] : memref<64x1152xf32, #tpu.memory_space<vmem>> -> memref<1x1152xf32, #tpu.memory_space<vmem>>
      %dma_wait3A_64 = tpu.memref_squeeze %dma_wait3A_63 : memref<1x1152xf32, #tpu.memory_space<vmem>> -> memref<1152xf32, #tpu.memory_space<vmem>>
      tpu.wait_dma2 semaphore(%arg8 : memref<!tpu.dma_semaphore, #tpu.memory_space<semaphore_mem>>) src(%dma_wait3A_64 : memref<1152xf32, #tpu.memory_space<vmem>>) dst(%dma_wait3A_61 : memref<1152xf32, #tpu.memory_space<hbm>>)
    }
    %while3A_51 = arith.constant 1 : i32
    scf.for %while3A_52 = %while3A_49 to %while3A_45 step %while3A_51  : i32 {
      %dma_wait3A_53 = arith.constant 0 : i32
      %dma_wait3A_54 = arith.constant 0 : i32
      %dma_wait3A_55 = arith.constant 0 : i32
      %dma_wait3A_56 = tpu.memref_slice %arg5[%dma_wait3A_53, %dma_wait3A_55] : memref<64x1152xf32, #tpu.memory_space<vmem>> -> memref<1x1152xf32, #tpu.memory_space<vmem>>
      %dma_wait3A_57 = tpu.memref_squeeze %dma_wait3A_56 : memref<1x1152xf32, #tpu.memory_space<vmem>> -> memref<1152xf32, #tpu.memory_space<vmem>>
      %dma_wait3A_58 = tpu.memref_slice %arg4[%dma_wait3A_54, %mul3A_34] : memref<2048x18432xf32, #tpu.memory_space<hbm>> -> memref<1x1152xf32, #tpu.memory_space<hbm>>
      %dma_wait3A_59 = tpu.memref_squeeze %dma_wait3A_58 : memref<1x1152xf32, #tpu.memory_space<hbm>> -> memref<1152xf32, #tpu.memory_space<hbm>>
      %dma_wait3A_60 = tpu.memref_slice %arg4[%dma_wait3A_54, %mul3A_34] : memref<2048x18432xf32, #tpu.memory_space<hbm>> -> memref<1x1152xf32, #tpu.memory_space<hbm>>
      %dma_wait3A_61 = tpu.memref_squeeze %dma_wait3A_60 : memref<1x1152xf32, #tpu.memory_space<hbm>> -> memref<1152xf32, #tpu.memory_space<hbm>>
      %dma_wait3A_62 = arith.constant 0 : i32
      %dma_wait3A_63 = tpu.memref_slice %arg5[%dma_wait3A_53, %dma_wait3A_62] : memref<64x1152xf32, #tpu.memory_space<vmem>> -> memref<1x1152xf32, #tpu.memory_space<vmem>>
      %dma_wait3A_64 = tpu.memref_squeeze %dma_wait3A_63 : memref<1x1152xf32, #tpu.memory_space<vmem>> -> memref<1152xf32, #tpu.memory_space<vmem>>
      tpu.wait_dma2 semaphore(%arg8 : memref<!tpu.dma_semaphore, #tpu.memory_space<semaphore_mem>>) src(%dma_wait3A_64 : memref<1152xf32, #tpu.memory_space<vmem>>) dst(%dma_wait3A_61 : memref<1152xf32, #tpu.memory_space<hbm>>)
    }
    return
  }
}

</mosaic_0001>

<sc_bundles>
// kernel: kernel.3.cloned.1.call-start
scs
__scs_entry_jumppad:
0x0: {  	(pc) =	sbr.rel $0x88, $3  }
0x1: {  	(tag) =	ssettag $0x0;
	lr =	simm.s32 $0x1  }
0x2: {  	[smem:$0x3F9F] =	sst lr;
	_ =	strace $0xD0000000  }
0x3: {  	_ = 	snop  }
0x4: {  	_ = 	snop  }
0x5: {  	_ = 	snop  }
0x6: {  	_ = 	snop  }
0x7: {  	_ = 	snop  }
__scs_overlays_trampoline_lowered:
0x8: {  	[smem:$0x3FAE] =	sst s0  }
0x9: {  	[smem:$0x3FAF] =	sst s1  }
0xa: {  	[smem:$0x3FB0] =	sst s2  }
0xb: {  	[smem:$0x3FB1] =	sst s3  }
0xc: {  	[smem:$0x3FB2] =	sst s4  }
0xd: {  	[smem:$0x3FB3] =	sst s5  }
0xe: {  	[smem:$0x3FB4] =	sst s6  }
0xf: {  	[smem:$0x3FB5] =	sst s7  }
0x10: {  	[smem:$0x3FB6] =	sst s8  }
0x11: {  	[smem:$0x3FB7] =	sst s9;
	s0 =	simm.s32 @!p0 $0x0  }
0x12: {  	s1 =	sld [smem:$0x3F9D];
	s0 =	simm.s32 @p0 $0x1  }
0x13: {  	[smem:$0x3FB8] =	sst s0;
	s0 =	simm.s32 @!p1 $0x0  }
0x14: {  	s2 =	sld [smem:$0x3F9C];
	s0 =	simm.s32 @p1 $0x1  }
0x15: {  	[smem:$0x3FB9] =	sst s0;
	s0 =	simm.s32 @!p2 $0x0  }
0x16: {  	s3 =	sld [smem:$0x3FDB];
	s0 =	simm.s32 @p2 $0x1  }
0x17: {  	s4 =	simm.s32 $0x1BF5;
	[smem:$0x3FBB] =	sst s0  }
0x18: {  	s0 =	sld [smem:$0x3F9E];
	_ =	swait.ge [sflag:s4], $0x0  }
0x19: {  	s7 =	sld [smem:$0x3F9F]  }
0x1a: {  	s8 =	sadd.s32 $0xFFFFE003, lr  }
0x1b: {  	s9 =	sadd.s32 $0xFFFFFEF7, lr;
	s5 =	simm.s32 $0xFFFFFFFF;
	p2 =	slt.u32 s8, $0xFFFFF086  }
0x1c: {  	p1 =	slt.u32 s9, $0xF7A;
	s5 =	simm.s32 @!p2 $0x0  }
0x1d: {  	s5 =	simm.s32 @p1 $0x1;
	p0 =	seq.s32 s7, s2  }
0x1e: {  	s7 =	smul.u32 @!p0 $0xF7A, s2;
	p2 =	seq.s32 @!p0 s5, $0x0  }
0x1f: {  	s9 =	smul.u32 $0xF7A, s1;
	s8 =	simm.s32 @!p0 $0x1BF5;
	p2 =	por !p2, p0  }
0x20: {  	[sflag:s8] =	ssyncset.s32 @!p0 $0xFFFFF086;
	s6 =	sadd.s32 @!p0 s3, s7;
	s7 =	simm.s32 @!p0 $0x108  }
0x21: {  	s3 =	sadd.s32 s3, s9;
	s6 =	sadd.s32 @!p0 $0x88, s6;
	s7 =	simm.s32 @p2 $0x1082  }
0x22: {  	[simem:s7], [sflag:s8] =	dma.local @!p0 [hbm:s6], $0xF7A  }
0x23: {  	s9 =	sor.u32 $0xD0000000, s2;
	s6 =	simm.s32 $0x108;
	_ =	swait.ge @!p0 [sflag:s8], $0x0  }
0x24: {  	s3 =	sadd.s32 $0x88, s3;
	s6 =	simm.s32 @!p1 $0x1082;
	[sflag:s4] =	ssyncset.s32 $0xFFFFF086  }
0x25: {  	[simem:s6], [sflag:s4] =	dma.local [hbm:s3], $0xF7A  }
0x26: {  	[smem:$0x3F9F] =	sst s1;
	(tag) =	ssettag s2;
	_ =	strace s9  }
0x27: {  	s1 =	sld [smem:$0x3FAF]  }
0x28: {  	s2 =	sld [smem:$0x3FB0]  }
0x29: {  	s4 =	sld [smem:$0x3FB2]  }
0x2a: {  	p0 =	seq.s32 s5, $0x0;
	s5 =	sld [smem:$0x3FB3]  }
0x2b: {  	s6 =	sld [smem:$0x3FB4]  }
0x2c: {  	s7 =	sld [smem:$0x3FB5]  }
0x2d: {  	s3 =	simm.s32 $0x108;
	s8 =	sld [smem:$0x3FB6]  }
0x2e: {  	s3 =	simm.s32 @!p0 $0x1082;
	s9 =	sld [smem:$0x3FB7]  }
0x2f: {  	lr =	sadd.s32 s0, s3;
	s0 =	sld [smem:$0x3FAE]  }
0x30: {  	s3 =	sld [smem:$0x3FB1]  }
0x31: {  	[smem:$0x3FBA] =	sst s10  }
0x32: {  	s10 =	sld [smem:$0x3FB8];
	_ =	sdelay $0x3  }
0x33: {  	p0 =	seq.s32 s10, $0x1;
	s10 =	sld [smem:$0x3FBA];
	_ =	sdelay $0x3  }
0x34: {  	[smem:$0x3FBA] =	sst s10  }
0x35: {  	s10 =	sld [smem:$0x3FB9];
	_ =	sdelay $0x3  }
0x36: {  	p1 =	seq.s32 s10, $0x1;
	s10 =	sld [smem:$0x3FBA];
	_ =	sdelay $0x3  }
0x37: {  	[smem:$0x3FBA] =	sst s10  }
0x38: {  	s10 =	sld [smem:$0x3FBB]  }
0x39: {  	_ = 	snop;
	(pc) =	sbr.ind lr, $3  }
0x3a: {  	_ = 	snop  }
0x3b: {  	_ = 	snop  }
0x3c: {  	p2 =	seq.s32 s10, $0x1;
	s10 =	sld [smem:$0x3FBA]  }
0x3d: {  	_ =	shalt  }
0x3e: {  	_ =	shalt  }
0x3f: {  	_ =	shalt  }
0x40: {  	_ =	shalt  }
0x41: {  	_ =	shalt  }
0x42: {  	_ =	shalt  }
0x43: {  	_ =	shalt  }
0x44: {  	_ =	shalt  }
0x45: {  	_ =	shalt  }
0x46: {  	_ =	shalt  }
0x47: {  	_ =	shalt  }
0x48: {  	_ =	shalt  }
0x49: {  	_ =	shalt  }
0x4a: {  	_ =	shalt  }
0x4b: {  	_ =	shalt  }
0x4c: {  	_ =	shalt  }
0x4d: {  	_ =	shalt  }
0x4e: {  	_ =	shalt  }
0x4f: {  	_ =	shalt  }
0x50: {  	_ =	shalt  }
0x51: {  	_ =	shalt  }
0x52: {  	_ =	shalt  }
0x53: {  	_ =	shalt  }
0x54: {  	_ =	shalt  }
0x55: {  	_ =	shalt  }
0x56: {  	_ =	shalt  }
0x57: {  	_ =	shalt  }
0x58: {  	_ =	shalt  }
0x59: {  	_ =	shalt  }
0x5a: {  	_ =	shalt  }
0x5b: {  	_ =	shalt  }
0x5c: {  	_ =	shalt  }
0x5d: {  	_ =	shalt  }
0x5e: {  	_ =	shalt  }
0x5f: {  	_ =	shalt  }
0x60: {  	_ =	shalt  }
0x61: {  	_ =	shalt  }
0x62: {  	_ =	shalt  }
0x63: {  	_ =	shalt  }
0x64: {  	_ =	shalt  }
0x65: {  	_ =	shalt  }
0x66: {  	_ =	shalt  }
0x67: {  	_ =	shalt  }
0x68: {  	_ =	shalt  }
0x69: {  	_ =	shalt  }
0x6a: {  	_ =	shalt  }
0x6b: {  	_ =	shalt  }
0x6c: {  	_ =	shalt  }
0x6d: {  	_ =	shalt  }
0x6e: {  	_ =	shalt  }
0x6f: {  	_ =	shalt  }
0x70: {  	_ =	shalt  }
0x71: {  	_ =	shalt  }
0x72: {  	_ =	shalt  }
0x73: {  	_ =	shalt  }
0x74: {  	_ =	shalt  }
0x75: {  	_ =	shalt  }
0x76: {  	_ =	shalt  }
0x77: {  	_ =	shalt  }
0x78: {  	_ =	shalt  }
0x79: {  	_ =	shalt  }
0x7a: {  	_ =	shalt  }
0x7b: {  	_ =	shalt  }
0x7c: {  	_ =	shalt  }
0x7d: {  	_ =	shalt  }
0x7e: {  	_ =	shalt  }
0x7f: {  	_ =	shalt  }
0x80: {  	_ =	shalt  }
0x81: {  	_ =	shalt  }
0x82: {  	_ =	shalt  }
0x83: {  	_ =	shalt  }
0x84: {  	_ =	shalt  }
0x85: {  	_ =	shalt  }
0x86: {  	_ =	shalt  }
0x87: {  	_ =	shalt  }
.Lfunc_end0:
.L_simem_size_0:
called_computation_lowered:
.L_overlay_start_0:
0x88: {  	s2 =	sld [smem:$0x3FD9]  }
0x89: {  	s3 =	sld [smem:$0x3FFE];
	_ =	sdelay $0x1  }
0x8a: {  	s1 =	srdreg.scid  }
0x8b: {  	s0 =	sand.u32 $0x1, s1  }
0x8c: {  	s18 =	sshll.u32 s0, $0xA;
	s2 =	sadd.s32 s3, s2  }
0x8d: {  	s2 =	sadd.s32 s2, s18  }
0x8e: {  	[smem:$0x3FC6] =	sst s2  }
0x8f: {  	_ = 	snop  }
0x90: {  	s2 =	sld [smem:$0x3FC9]  }
0x91: {  	s19 =	sld [smem:$0x3FC8]  }
0x92: {  	s4 =	sld [smem:$0x3FD0];
	(tm) =	ssettm $0x1  }
0x93: {  	s5 =	sld [smem:$0x3FFB];
	_ =	sdelay $0x3  }
0x94: {  	_ =	strace s5  }
0x95: {  	s5 =	sld [smem:$0x3FFC];
	_ =	sdelay $0x3  }
0x96: {  	_ =	strace s5  }
0x97: {  	s5 =	sld [smem:$0x3FFD];
	_ =	sdelay $0x3  }
0x98: {  	_ =	strace s5  }
0x99: {  	_ =	strace $0x8FFFFFFF  }
0x9a: {  	s20 =	sld [smem:$0x3FDB];
	_ =	sdelay $0x1  }
0x9b: {  	s6 =	simm.s32 $_scs_section_size  }
0x9c: {  	s7 =	simm.s32 $_size__tile_overlayer_lowered;
	s8 =	simm.s32 $_tile_overlayer_lowered  }
0x9d: {  	s23 =	simm.s32 $0x1BFF;
	s22 =	sshll.u32 s8, $0x1;
	s5 =	sadd.s32 s6, s20  }
0x9e: {  	s9 =	simm.s32 $0x0;
	s21 =	sshll.u32 s7, $0x1;
	s7 =	sadd.s32 s22, s5  }
0x9f: {  	[timem:s9], [sflag:s23] =	dma.local [hbm:s7], s21  }
0xa0: {  	_ =	swait.ge [sflag:s23], s21  }
0xa1: {  	s6 =	ssub.s32 $0x0, s21;
	[sflag:s23] =	ssyncset.done $0x0  }
0xa2: {  	[sflag:s23] =	ssyncadd.s32 s6;
	_ =	sdelay $0x1  }
0xa3: {  	s24 =	simm.s32 $0x1B8B  }
0xa4: {  	_ =	swait.ge [sflag:s24], $0x1  }
0xa5: {  	[sflag:s24] =	ssyncset.done $0x0  }
0xa6: {  	s25 =	simm.s32 $0x1B8E;
	[sflag:s24] =	ssyncadd.s32 $0xFFFFFFFF  }
0xa7: {  	s26 =	simm.s32 $execute0_lowered;
	[smem:$0x3FD2] =	sst s25  }
0xa8: {  	s6 =	sshll.u32 s26, $0x1;
	_ =	strace $0x80000046;
	[dreg:$0x1] =	wrdreg $0xFFFFFFFF  }
0xa9: {  	s28 =	simm.s32 $_size_execute0_lowered;
	s5 =	sadd.s32 s5, s6;
	[dreg:$0x0] =	wrdreg $0x0  }
0xaa: {  	s6 =	sshll.u32 s28, $0x1;
	[dreg:$0x2] =	wrdreg s5  }
0xab: {  	[dreg:$0x3] =	wrdreg s6  }
0xac: {  	[dreg:$0x4] =	wrdreg $0xC0  }
0xad: {  	_ =	task [dreg:s9], $0x5FFFF  }
0xae: {  	[dreg:$0x1] =	wrdreg $0xFFFFFFFF  }
0xaf: {  	[dreg:$0x0] =	wrdreg $0x60  }
0xb0: {  	[dreg:$0x2] =	wrdreg s2  }
0xb1: {  	[dreg:$0x3] =	wrdreg s19  }
0xb2: {  	[dreg:$0x4] =	wrdreg s4  }
0xb3: {  	[dreg:$0x5] =	wrdreg $0x9  }
0xb4: {  	_ =	task.clear_ibuf [dreg:s9], $0x6FFFF;
	_ =	strace $0x90000046  }
0xb5: {  	s29 =	simm.s32 $0x9;
	_ =	strace $0x80000048  }
0xb6: {  	_ =	swait.ge [sflag:s29], $0x1  }
0xb7: {  	[sflag:s29] =	ssyncadd.s32 $0xFFFFFFFF  }
0xb8: {  	_ =	strace $0x90000048  }
0xb9: {  	_ =	sfence  }
0xba: {  	s30 =	sld [smem:$0x0];
	_ =	sdelay $0x2  }
0xbb: {  	s31 =	sshll.u32 s1, $0xD;
	s1 =	sshrl.u32 s1, $0x2  }
0xbc: {  	s3 =	sand.u32 $0x4000, s31;
	s1 =	sadd.s32 s1, s30  }
0xbd: {  	s0 =	sor.u32 s3, s0;
	s1 =	sshll.u32 s1, $0x11  }
0xbe: {  	s0 =	sor.u32 s1, s0  }
0xbf: {  	s0 =	sadd.s32 $0x8F2B, s0  }
0xc0: {  	[sflag:s0] =	ssyncadd.remote.s32 $0x1  }
0xc1: {  	_ =	sfence.sel $0xFFFF  }
0xc2: {  	[dreg:$0x0] =	wrdreg $0xFFFFFFFF;
	(pc) =	sbr.abs _section_cstart, $3  }
0xc3: {  	[dreg:$0x1] =	wrdreg $0xFFFFFFFF  }
0xc4: {  	_ =	task.clear_ibuf [dreg:s9], $0x2FFFF;
	_ =	strace $0x9FFFFFFF  }
0xc5: {  	(tm) =	ssettm $0x7FFFFFFF  }
tec
execute0_lowered:
.L_overlay_start_1:
0x0: {  	(tag) =	ssettag $0x1  }
0x1: {  	s9 =	stileid.u32  }
0x2: {  	s0 =	srdreg.scid;
	s2 =	rddreg [dreg:$0x1]  }
0x3: {  	s8 =	rddreg [dreg:$0x2];
	s30 =	simm.s32 $0x0;
	s11 =	simm.s32 $0x1  }
0x4: {  	s12 =	simm.s32 $0x2;
	s13 =	simm.s32 $0x0;
	s3 =	sand.u32 $0x8, s9  }
0x5: {  	s1 =	sshll.u32 s9, $0x1;
	s5 =	sand.u32 $0x7, s9;
	s4 =	smul.u32 $0x24000, s3  }
0x6: {  	s0 =	sand.u32 $0x1, s0;
	s1 =	sand.u32 $0xE, s1;
	s5 =	smul.u32 $0x4800, s5  }
0x7: {  	s6 =	ssub.s32 $0x2, s0;
	s1 =	sor.u32 s0, s1;
	s0 =	smul.u32 $0x2400, s0  }
0x8: {  	[smem:$0x7FF] =	sst s30;
	s7 =	sshrl.u32 s6, $0x1;
	s1 =	smul.u32 $0x2400, s1  }
.Ltmp0:
0x9: {  	_ =	strace $0x80000047;
	s6 =	ssub.s32 s6, s7;
	(pc) =	sbr.rel .LBB2_1-.Ltmp0, $4  }
0xa: {  	s0 =	sadd.s32 s0, s5;
	s6 =	smax.u32 s6, $0x1;
	s1 =	sadd.s32 s4, s1  }
0xb: {  	s31 =	sshrl.u32 s0, $0x3;
	s0 =	sadd.s32 $0x24000, s0;
	s1 =	sshrl.u32 s1, $0x3  }
0xc: {  	s4 =	sshrl.u32 s9, $0x3;
	s0 =	sshrl.u32 s0, $0x3;
	s1 =	sadd.s32 s2, s1  }
0xd: {  	s7 =	sadd.s32 s31, s8;
	s8 =	sadd.s32 s0, s8;
	[dreg:$0x4] =	wrdreg s1  }
.LBB2_6:
0xe: {  	[sflag:s12] =	ssyncadd.s32 $0xFFFFFB80  }
.LBB2_7:
0xf: {  	s13 =	sadd.s32 $0x1, s13  }
0x10: {  	p0 =	sne.s32 s13, s6  }
.Ltmp1:
0x11: {  	_ = 	snop;
	(pc) =	sbr.rel @!p0 .LBB2_8-.Ltmp1, $1  }
0x12: {  	_ =	sdelay $0x3  }
.LBB2_1:
0x13: {  	s1 =	simm.s32 $0x0  }
0x14: {  	s0 =	rddreg [dreg:$0x4];
	s2 =	simm.s32 $0x2400;
	s3 =	simm.s32 $0x24000  }
0x15: {  	[tilespmem:s1], [sflag:$0x1] =	stream.strided.gather [hbm4b:s0+s2], $0x12000, s3, s2, $0x38;
	[tilespmem:$0x12800] =	vst v63  }
0x16: {  	s14 =	simm.s32 $0x12000;
	s31 =	rddreg [dreg:$0x0]  }
0x17: {  	[tilespmem:s14], [sflag:$0x1] =	stream.linear.gather [hbm4b:s31+s1], $0x800, $0x38;
	[tilespmem:$0x12800] =	vst v63  }
0x18: {  	_ =	swait.ge [sflag:s11], $0x800  }
0x19: {  	[sflag:s11] =	ssyncset.done $0x0  }
0x1a: {  	[sflag:s11] =	ssyncadd.s32 $0xFFFFF800  }
0x1b: {  	_ =	swait.ge [sflag:s11], $0x12000  }
0x1c: {  	[sflag:s11] =	ssyncset.done $0x0  }
0x1d: {  	s15 =	simm.s32 $0x0;
	s16 =	simm.s32 $0x0;
	[sflag:s11] =	ssyncadd.s32 $0xFFFEE000  }
.LBB2_2:
0x1e: {  	v0 =	vld [tilespmem:s14+$0x0];
	_ =	sdelay $0x4  }
0x1f: {  	(v2sf) =	vpush v0, $0x0;
	_ =	sdelay $0xe  }
0x20: {  	s0 =	spop (v2sf)  }
0x21: {  	s17 =	sshra.s32 s0, $0x6  }
0x22: {  	p0 =	sne.s32 s17, s4  }
0x23: {  	s1 =	sshrl.u32 @!p0 s0, $0x3  }
0x24: {  	s1 =	sand.u32 @!p0 $0x7, s1  }
0x25: {  	s1 =	smul.u32 @!p0 $0x9000, s1  }
0x26: {  	s0 =	sshll.u32 @!p0 s0, $0x7  }
0x27: {  	s0 =	sand.u32 @!p0 $0x380, s0;
	s1 =	sshrl.u32 @!p0 s1, $0x2  }
0x28: {  	s2 =	sadd.s32 @!p0 s15, s7;
	s0 =	sor.u32 @!p0 s0, s1;
	s1 =	simm.s32 @!p0 $0x0  }
0x29: {  	[hbm4b:s2+s1] =	stream.linear.scatter @!p0 [tilespmem:s0], [sflag:$0x2], $0x80, $0x38;
	[tilespmem:$0x12800] =	vst v63  }
0x2a: {  	s10 =	sadd.s32 @!p0 $0x80, s2;
	s9 =	sadd.s32 @!p0 $0x400, s0  }
0x2b: {  	(v2sf) =	vpush v0, $0x1;
	[hbm4b:s10+s1] =	stream.linear.scatter @!p0 [tilespmem:s9], [sflag:$0x2], $0x80, $0x38;
	[tilespmem:$0x12800] =	vst v63  }
0x2c: {  	s9 =	sadd.s32 @!p0 $0x800, s0;
	s10 =	sadd.s32 @!p0 $0x100, s2  }
0x2d: {  	[hbm4b:s10+s1] =	stream.linear.scatter @!p0 [tilespmem:s9], [sflag:$0x2], $0x80, $0x38;
	[tilespmem:$0x12800] =	vst v63  }
0x2e: {  	s9 =	sadd.s32 @!p0 $0xC00, s0;
	s10 =	sadd.s32 @!p0 $0x180, s2  }
0x2f: {  	[hbm4b:s10+s1] =	stream.linear.scatter @!p0 [tilespmem:s9], [sflag:$0x2], $0x80, $0x38;
	[tilespmem:$0x12800] =	vst v63  }
0x30: {  	s9 =	sadd.s32 @!p0 $0x1000, s0;
	s10 =	sadd.s32 @!p0 $0x200, s2  }
0x31: {  	[hbm4b:s10+s1] =	stream.linear.scatter @!p0 [tilespmem:s9], [sflag:$0x2], $0x80, $0x38;
	[tilespmem:$0x12800] =	vst v63  }
0x32: {  	s9 =	sadd.s32 @!p0 $0x1400, s0;
	s10 =	sadd.s32 @!p0 $0x280, s2  }
0x33: {  	[hbm4b:s10+s1] =	stream.linear.scatter @!p0 [tilespmem:s9], [sflag:$0x2], $0x80, $0x38;
	[tilespmem:$0x12800] =	vst v63  }
0x34: {  	s9 =	sadd.s32 @!p0 $0x1800, s0;
	s10 =	sadd.s32 @!p0 $0x300, s2  }
0x35: {  	[hbm4b:s10+s1] =	stream.linear.scatter @!p0 [tilespmem:s9], [sflag:$0x2], $0x80, $0x38;
	[tilespmem:$0x12800] =	vst v63  }
0x36: {  	s9 =	sadd.s32 @!p0 $0x1C00, s0;
	s10 =	sadd.s32 @!p0 $0x380, s2  }
0x37: {  	[hbm4b:s10+s1] =	stream.linear.scatter @!p0 [tilespmem:s9], [sflag:$0x2], $0x80, $0x38;
	[tilespmem:$0x12800] =	vst v63  }
0x38: {  	s0 =	sadd.s32 @!p0 $0x2000, s0;
	s2 =	sadd.s32 @!p0 $0x400, s2  }
0x39: {  	[hbm4b:s2+s1] =	stream.linear.scatter @!p0 [tilespmem:s0], [sflag:$0x2], $0x80, $0x38;
	[tilespmem:$0x12800] =	vst v63  }
0x3a: {  	s0 =	spop (v2sf)  }
0x3b: {  	s18 =	sshra.s32 s0, $0x6  }
0x3c: {  	p0 =	sne.s32 s18, s4  }
0x3d: {  	s1 =	sshrl.u32 @!p0 s0, $0x3  }
0x3e: {  	s1 =	sand.u32 @!p0 $0x7, s1  }
0x3f: {  	s1 =	smul.u32 @!p0 $0x9000, s1  }
0x40: {  	s0 =	sshll.u32 @!p0 s0, $0x7  }
0x41: {  	s2 =	sadd.s32 @!p0 s15, s7;
	s0 =	sand.u32 @!p0 $0x380, s0;
	s1 =	sshrl.u32 @!p0 s1, $0x2  }
0x42: {  	s9 =	sadd.s32 @!p0 $0x10, s2;
	s0 =	sor.u32 @!p0 s0, s1;
	s1 =	simm.s32 @!p0 $0x0  }
0x43: {  	[hbm4b:s9+s1] =	stream.linear.scatter @!p0 [tilespmem:s0], [sflag:$0x2], $0x80, $0x38;
	[tilespmem:$0x12800] =	vst v63  }
0x44: {  	s10 =	sadd.s32 @!p0 $0x90, s2;
	s9 =	sadd.s32 @!p0 $0x400, s0  }
0x45: {  	(v2sf) =	vpush v0, $0x2;
	[hbm4b:s10+s1] =	stream.linear.scatter @!p0 [tilespmem:s9], [sflag:$0x2], $0x80, $0x38;
	[tilespmem:$0x12800] =	vst v63  }
0x46: {  	s9 =	sadd.s32 @!p0 $0x800, s0;
	s10 =	sadd.s32 @!p0 $0x110, s2  }
0x47: {  	[hbm4b:s10+s1] =	stream.linear.scatter @!p0 [tilespmem:s9], [sflag:$0x2], $0x80, $0x38;
	[tilespmem:$0x12800] =	vst v63  }
0x48: {  	s9 =	sadd.s32 @!p0 $0xC00, s0;
	s10 =	sadd.s32 @!p0 $0x190, s2  }
0x49: {  	[hbm4b:s10+s1] =	stream.linear.scatter @!p0 [tilespmem:s9], [sflag:$0x2], $0x80, $0x38;
	[tilespmem:$0x12800] =	vst v63  }
0x4a: {  	s9 =	sadd.s32 @!p0 $0x1000, s0;
	s10 =	sadd.s32 @!p0 $0x210, s2  }
0x4b: {  	[hbm4b:s10+s1] =	stream.linear.scatter @!p0 [tilespmem:s9], [sflag:$0x2], $0x80, $0x38;
	[tilespmem:$0x12800] =	vst v63  }
0x4c: {  	s9 =	sadd.s32 @!p0 $0x1400, s0;
	s10 =	sadd.s32 @!p0 $0x290, s2  }
0x4d: {  	[hbm4b:s10+s1] =	stream.linear.scatter @!p0 [tilespmem:s9], [sflag:$0x2], $0x80, $0x38;
	[tilespmem:$0x12800] =	vst v63  }
0x4e: {  	s9 =	sadd.s32 @!p0 $0x1800, s0;
	s10 =	sadd.s32 @!p0 $0x310, s2  }
0x4f: {  	[hbm4b:s10+s1] =	stream.linear.scatter @!p0 [tilespmem:s9], [sflag:$0x2], $0x80, $0x38;
	[tilespmem:$0x12800] =	vst v63  }
0x50: {  	s9 =	sadd.s32 @!p0 $0x1C00, s0;
	s10 =	sadd.s32 @!p0 $0x390, s2  }
0x51: {  	[hbm4b:s10+s1] =	stream.linear.scatter @!p0 [tilespmem:s9], [sflag:$0x2], $0x80, $0x38;
	[tilespmem:$0x12800] =	vst v63  }
0x52: {  	s0 =	sadd.s32 @!p0 $0x2000, s0;
	s2 =	sadd.s32 @!p0 $0x410, s2  }
0x53: {  	[hbm4b:s2+s1] =	stream.linear.scatter @!p0 [tilespmem:s0], [sflag:$0x2], $0x80, $0x38;
	[tilespmem:$0x12800] =	vst v63  }
0x54: {  	s0 =	spop (v2sf)  }
0x55: {  	s19 =	sshra.s32 s0, $0x6  }
0x56: {  	p0 =	sne.s32 s19, s4  }
0x57: {  	s1 =	sshrl.u32 @!p0 s0, $0x3  }
0x58: {  	s1 =	sand.u32 @!p0 $0x7, s1  }
0x59: {  	s1 =	smul.u32 @!p0 $0x9000, s1  }
0x5a: {  	s0 =	sshll.u32 @!p0 s0, $0x7  }
0x5b: {  	s2 =	sadd.s32 @!p0 s15, s7;
	s0 =	sand.u32 @!p0 $0x380, s0;
	s1 =	sshrl.u32 @!p0 s1, $0x2  }
0x5c: {  	s9 =	sadd.s32 @!p0 $0x20, s2;
	s0 =	sor.u32 @!p0 s0, s1;
	s1 =	simm.s32 @!p0 $0x0  }
0x5d: {  	[hbm4b:s9+s1] =	stream.linear.scatter @!p0 [tilespmem:s0], [sflag:$0x2], $0x80, $0x38;
	[tilespmem:$0x12800] =	vst v63  }
0x5e: {  	s10 =	sadd.s32 @!p0 $0xA0, s2;
	s9 =	sadd.s32 @!p0 $0x400, s0  }
0x5f: {  	(v2sf) =	vpush v0, $0x3;
	[hbm4b:s10+s1] =	stream.linear.scatter @!p0 [tilespmem:s9], [sflag:$0x2], $0x80, $0x38;
	[tilespmem:$0x12800] =	vst v63  }
0x60: {  	s9 =	sadd.s32 @!p0 $0x800, s0;
	s10 =	sadd.s32 @!p0 $0x120, s2  }
0x61: {  	[hbm4b:s10+s1] =	stream.linear.scatter @!p0 [tilespmem:s9], [sflag:$0x2], $0x80, $0x38;
	[tilespmem:$0x12800] =	vst v63  }
0x62: {  	s9 =	sadd.s32 @!p0 $0xC00, s0;
	s10 =	sadd.s32 @!p0 $0x1A0, s2  }
0x63: {  	[hbm4b:s10+s1] =	stream.linear.scatter @!p0 [tilespmem:s9], [sflag:$0x2], $0x80, $0x38;
	[tilespmem:$0x12800] =	vst v63  }
0x64: {  	s9 =	sadd.s32 @!p0 $0x1000, s0;
	s10 =	sadd.s32 @!p0 $0x220, s2  }
0x65: {  	[hbm4b:s10+s1] =	stream.linear.scatter @!p0 [tilespmem:s9], [sflag:$0x2], $0x80, $0x38;
	[tilespmem:$0x12800] =	vst v63  }
0x66: {  	s9 =	sadd.s32 @!p0 $0x1400, s0;
	s10 =	sadd.s32 @!p0 $0x2A0, s2  }
0x67: {  	[hbm4b:s10+s1] =	stream.linear.scatter @!p0 [tilespmem:s9], [sflag:$0x2], $0x80, $0x38;
	[tilespmem:$0x12800] =	vst v63  }
0x68: {  	s9 =	sadd.s32 @!p0 $0x1800, s0;
	s10 =	sadd.s32 @!p0 $0x320, s2  }
0x69: {  	[hbm4b:s10+s1] =	stream.linear.scatter @!p0 [tilespmem:s9], [sflag:$0x2], $0x80, $0x38;
	[tilespmem:$0x12800] =	vst v63  }
0x6a: {  	s9 =	sadd.s32 @!p0 $0x1C00, s0;
	s10 =	sadd.s32 @!p0 $0x3A0, s2  }
0x6b: {  	[hbm4b:s10+s1] =	stream.linear.scatter @!p0 [tilespmem:s9], [sflag:$0x2], $0x80, $0x38;
	[tilespmem:$0x12800] =	vst v63  }
0x6c: {  	s0 =	sadd.s32 @!p0 $0x2000, s0;
	s2 =	sadd.s32 @!p0 $0x420, s2  }
0x6d: {  	[hbm4b:s2+s1] =	stream.linear.scatter @!p0 [tilespmem:s0], [sflag:$0x2], $0x80, $0x38;
	[tilespmem:$0x12800] =	vst v63  }
0x6e: {  	s0 =	spop (v2sf)  }
0x6f: {  	s20 =	sshra.s32 s0, $0x6  }
0x70: {  	p0 =	sne.s32 s20, s4  }
0x71: {  	s1 =	sshrl.u32 @!p0 s0, $0x3  }
0x72: {  	s1 =	sand.u32 @!p0 $0x7, s1  }
0x73: {  	s1 =	smul.u32 @!p0 $0x9000, s1  }
0x74: {  	s0 =	sshll.u32 @!p0 s0, $0x7  }
0x75: {  	s2 =	sadd.s32 @!p0 s15, s7;
	s0 =	sand.u32 @!p0 $0x380, s0;
	s1 =	sshrl.u32 @!p0 s1, $0x2  }
0x76: {  	s9 =	sadd.s32 @!p0 $0x30, s2;
	s0 =	sor.u32 @!p0 s0, s1;
	s1 =	simm.s32 @!p0 $0x0  }
0x77: {  	[hbm4b:s9+s1] =	stream.linear.scatter @!p0 [tilespmem:s0], [sflag:$0x2], $0x80, $0x38;
	[tilespmem:$0x12800] =	vst v63  }
0x78: {  	s10 =	sadd.s32 @!p0 $0xB0, s2;
	s9 =	sadd.s32 @!p0 $0x400, s0  }
0x79: {  	(v2sf) =	vpush v0, $0x4;
	[hbm4b:s10+s1] =	stream.linear.scatter @!p0 [tilespmem:s9], [sflag:$0x2], $0x80, $0x38;
	[tilespmem:$0x12800] =	vst v63  }
0x7a: {  	s9 =	sadd.s32 @!p0 $0x800, s0;
	s10 =	sadd.s32 @!p0 $0x130, s2  }
0x7b: {  	[hbm4b:s10+s1] =	stream.linear.scatter @!p0 [tilespmem:s9], [sflag:$0x2], $0x80, $0x38;
	[tilespmem:$0x12800] =	vst v63  }
0x7c: {  	s9 =	sadd.s32 @!p0 $0xC00, s0;
	s10 =	sadd.s32 @!p0 $0x1B0, s2  }
0x7d: {  	[hbm4b:s10+s1] =	stream.linear.scatter @!p0 [tilespmem:s9], [sflag:$0x2], $0x80, $0x38;
	[tilespmem:$0x12800] =	vst v63  }
0x7e: {  	s9 =	sadd.s32 @!p0 $0x1000, s0;
	s10 =	sadd.s32 @!p0 $0x230, s2  }
0x7f: {  	[hbm4b:s10+s1] =	stream.linear.scatter @!p0 [tilespmem:s9], [sflag:$0x2], $0x80, $0x38;
	[tilespmem:$0x12800] =	vst v63  }
0x80: {  	s9 =	sadd.s32 @!p0 $0x1400, s0;
	s10 =	sadd.s32 @!p0 $0x2B0, s2  }
0x81: {  	[hbm4b:s10+s1] =	stream.linear.scatter @!p0 [tilespmem:s9], [sflag:$0x2], $0x80, $0x38;
	[tilespmem:$0x12800] =	vst v63  }
0x82: {  	s9 =	sadd.s32 @!p0 $0x1800, s0;
	s10 =	sadd.s32 @!p0 $0x330, s2  }
0x83: {  	[hbm4b:s10+s1] =	stream.linear.scatter @!p0 [tilespmem:s9], [sflag:$0x2], $0x80, $0x38;
	[tilespmem:$0x12800] =	vst v63  }
0x84: {  	s9 =	sadd.s32 @!p0 $0x1C00, s0;
	s10 =	sadd.s32 @!p0 $0x3B0, s2  }
0x85: {  	[hbm4b:s10+s1] =	stream.linear.scatter @!p0 [tilespmem:s9], [sflag:$0x2], $0x80, $0x38;
	[tilespmem:$0x12800] =	vst v63  }
0x86: {  	s0 =	sadd.s32 @!p0 $0x2000, s0;
	s2 =	sadd.s32 @!p0 $0x430, s2  }
0x87: {  	[hbm4b:s2+s1] =	stream.linear.scatter @!p0 [tilespmem:s0], [sflag:$0x2], $0x80, $0x38;
	[tilespmem:$0x12800] =	vst v63  }
0x88: {  	s0 =	spop (v2sf)  }
0x89: {  	s21 =	sshra.s32 s0, $0x6  }
0x8a: {  	p0 =	sne.s32 s21, s4  }
0x8b: {  	s1 =	sshrl.u32 @!p0 s0, $0x3  }
0x8c: {  	s1 =	sand.u32 @!p0 $0x7, s1  }
0x8d: {  	s1 =	smul.u32 @!p0 $0x9000, s1  }
0x8e: {  	s0 =	sshll.u32 @!p0 s0, $0x7  }
0x8f: {  	s2 =	sadd.s32 @!p0 s15, s7;
	s0 =	sand.u32 @!p0 $0x380, s0;
	s1 =	sshrl.u32 @!p0 s1, $0x2  }
0x90: {  	s9 =	sadd.s32 @!p0 $0x40, s2;
	s0 =	sor.u32 @!p0 s0, s1;
	s1 =	simm.s32 @!p0 $0x0  }
0x91: {  	[hbm4b:s9+s1] =	stream.linear.scatter @!p0 [tilespmem:s0], [sflag:$0x2], $0x80, $0x38;
	[tilespmem:$0x12800] =	vst v63  }
0x92: {  	s10 =	sadd.s32 @!p0 $0xC0, s2;
	s9 =	sadd.s32 @!p0 $0x400, s0  }
0x93: {  	(v2sf) =	vpush v0, $0x5;
	[hbm4b:s10+s1] =	stream.linear.scatter @!p0 [tilespmem:s9], [sflag:$0x2], $0x80, $0x38;
	[tilespmem:$0x12800] =	vst v63  }
0x94: {  	s9 =	sadd.s32 @!p0 $0x800, s0;
	s10 =	sadd.s32 @!p0 $0x140, s2  }
0x95: {  	[hbm4b:s10+s1] =	stream.linear.scatter @!p0 [tilespmem:s9], [sflag:$0x2], $0x80, $0x38;
	[tilespmem:$0x12800] =	vst v63  }
0x96: {  	s9 =	sadd.s32 @!p0 $0xC00, s0;
	s10 =	sadd.s32 @!p0 $0x1C0, s2  }
0x97: {  	[hbm4b:s10+s1] =	stream.linear.scatter @!p0 [tilespmem:s9], [sflag:$0x2], $0x80, $0x38;
	[tilespmem:$0x12800] =	vst v63  }
0x98: {  	s9 =	sadd.s32 @!p0 $0x1000, s0;
	s10 =	sadd.s32 @!p0 $0x240, s2  }
0x99: {  	[hbm4b:s10+s1] =	stream.linear.scatter @!p0 [tilespmem:s9], [sflag:$0x2], $0x80, $0x38;
	[tilespmem:$0x12800] =	vst v63  }
0x9a: {  	s9 =	sadd.s32 @!p0 $0x1400, s0;
	s10 =	sadd.s32 @!p0 $0x2C0, s2  }
0x9b: {  	[hbm4b:s10+s1] =	stream.linear.scatter @!p0 [tilespmem:s9], [sflag:$0x2], $0x80, $0x38;
	[tilespmem:$0x12800] =	vst v63  }
0x9c: {  	s9 =	sadd.s32 @!p0 $0x1800, s0;
	s10 =	sadd.s32 @!p0 $0x340, s2  }
0x9d: {  	[hbm4b:s10+s1] =	stream.linear.scatter @!p0 [tilespmem:s9], [sflag:$0x2], $0x80, $0x38;
	[tilespmem:$0x12800] =	vst v63  }
0x9e: {  	s9 =	sadd.s32 @!p0 $0x1C00, s0;
	s10 =	sadd.s32 @!p0 $0x3C0, s2  }
0x9f: {  	[hbm4b:s10+s1] =	stream.linear.scatter @!p0 [tilespmem:s9], [sflag:$0x2], $0x80, $0x38;
	[tilespmem:$0x12800] =	vst v63  }
0xa0: {  	s0 =	sadd.s32 @!p0 $0x2000, s0;
	s2 =	sadd.s32 @!p0 $0x440, s2  }
0xa1: {  	[hbm4b:s2+s1] =	stream.linear.scatter @!p0 [tilespmem:s0], [sflag:$0x2], $0x80, $0x38;
	[tilespmem:$0x12800] =	vst v63  }
0xa2: {  	s0 =	spop (v2sf)  }
0xa3: {  	s22 =	sshra.s32 s0, $0x6  }
0xa4: {  	p0 =	sne.s32 s22, s4  }
0xa5: {  	s1 =	sshrl.u32 @!p0 s0, $0x3  }
0xa6: {  	s1 =	sand.u32 @!p0 $0x7, s1  }
0xa7: {  	s1 =	smul.u32 @!p0 $0x9000, s1  }
0xa8: {  	s0 =	sshll.u32 @!p0 s0, $0x7  }
0xa9: {  	s2 =	sadd.s32 @!p0 s15, s7;
	s0 =	sand.u32 @!p0 $0x380, s0;
	s1 =	sshrl.u32 @!p0 s1, $0x2  }
0xaa: {  	s9 =	sadd.s32 @!p0 $0x50, s2;
	s0 =	sor.u32 @!p0 s0, s1;
	s1 =	simm.s32 @!p0 $0x0  }
0xab: {  	[hbm4b:s9+s1] =	stream.linear.scatter @!p0 [tilespmem:s0], [sflag:$0x2], $0x80, $0x38;
	[tilespmem:$0x12800] =	vst v63  }
0xac: {  	s10 =	sadd.s32 @!p0 $0xD0, s2;
	s9 =	sadd.s32 @!p0 $0x400, s0  }
0xad: {  	(v2sf) =	vpush v0, $0x6;
	[hbm4b:s10+s1] =	stream.linear.scatter @!p0 [tilespmem:s9], [sflag:$0x2], $0x80, $0x38;
	[tilespmem:$0x12800] =	vst v63  }
0xae: {  	s9 =	sadd.s32 @!p0 $0x800, s0;
	s10 =	sadd.s32 @!p0 $0x150, s2  }
0xaf: {  	[hbm4b:s10+s1] =	stream.linear.scatter @!p0 [tilespmem:s9], [sflag:$0x2], $0x80, $0x38;
	[tilespmem:$0x12800] =	vst v63  }
0xb0: {  	s9 =	sadd.s32 @!p0 $0xC00, s0;
	s10 =	sadd.s32 @!p0 $0x1D0, s2  }
0xb1: {  	[hbm4b:s10+s1] =	stream.linear.scatter @!p0 [tilespmem:s9], [sflag:$0x2], $0x80, $0x38;
	[tilespmem:$0x12800] =	vst v63  }
0xb2: {  	s9 =	sadd.s32 @!p0 $0x1000, s0;
	s10 =	sadd.s32 @!p0 $0x250, s2  }
0xb3: {  	[hbm4b:s10+s1] =	stream.linear.scatter @!p0 [tilespmem:s9], [sflag:$0x2], $0x80, $0x38;
	[tilespmem:$0x12800] =	vst v63  }
0xb4: {  	s9 =	sadd.s32 @!p0 $0x1400, s0;
	s10 =	sadd.s32 @!p0 $0x2D0, s2  }
0xb5: {  	[hbm4b:s10+s1] =	stream.linear.scatter @!p0 [tilespmem:s9], [sflag:$0x2], $0x80, $0x38;
	[tilespmem:$0x12800] =	vst v63  }
0xb6: {  	s9 =	sadd.s32 @!p0 $0x1800, s0;
	s10 =	sadd.s32 @!p0 $0x350, s2  }
0xb7: {  	[hbm4b:s10+s1] =	stream.linear.scatter @!p0 [tilespmem:s9], [sflag:$0x2], $0x80, $0x38;
	[tilespmem:$0x12800] =	vst v63  }
0xb8: {  	s9 =	sadd.s32 @!p0 $0x1C00, s0;
	s10 =	sadd.s32 @!p0 $0x3D0, s2  }
0xb9: {  	[hbm4b:s10+s1] =	stream.linear.scatter @!p0 [tilespmem:s9], [sflag:$0x2], $0x80, $0x38;
	[tilespmem:$0x12800] =	vst v63  }
0xba: {  	s0 =	sadd.s32 @!p0 $0x2000, s0;
	s2 =	sadd.s32 @!p0 $0x450, s2  }
0xbb: {  	[hbm4b:s2+s1] =	stream.linear.scatter @!p0 [tilespmem:s0], [sflag:$0x2], $0x80, $0x38;
	[tilespmem:$0x12800] =	vst v63  }
0xbc: {  	s0 =	spop (v2sf)  }
0xbd: {  	s23 =	sshra.s32 s0, $0x6  }
0xbe: {  	p0 =	sne.s32 s23, s4  }
0xbf: {  	s1 =	sshrl.u32 @!p0 s0, $0x3  }
0xc0: {  	s1 =	sand.u32 @!p0 $0x7, s1  }
0xc1: {  	s1 =	smul.u32 @!p0 $0x9000, s1  }
0xc2: {  	s0 =	sshll.u32 @!p0 s0, $0x7  }
0xc3: {  	s2 =	sadd.s32 @!p0 s15, s7;
	s0 =	sand.u32 @!p0 $0x380, s0;
	s1 =	sshrl.u32 @!p0 s1, $0x2  }
0xc4: {  	s9 =	sadd.s32 @!p0 $0x60, s2;
	s0 =	sor.u32 @!p0 s0, s1;
	s1 =	simm.s32 @!p0 $0x0  }
0xc5: {  	[hbm4b:s9+s1] =	stream.linear.scatter @!p0 [tilespmem:s0], [sflag:$0x2], $0x80, $0x38;
	[tilespmem:$0x12800] =	vst v63  }
0xc6: {  	s10 =	sadd.s32 @!p0 $0xE0, s2;
	s9 =	sadd.s32 @!p0 $0x400, s0  }
0xc7: {  	(v2sf) =	vpush v0, $0x7;
	[hbm4b:s10+s1] =	stream.linear.scatter @!p0 [tilespmem:s9], [sflag:$0x2], $0x80, $0x38;
	[tilespmem:$0x12800] =	vst v63  }
0xc8: {  	s9 =	sadd.s32 @!p0 $0x800, s0;
	s10 =	sadd.s32 @!p0 $0x160, s2  }
0xc9: {  	[hbm4b:s10+s1] =	stream.linear.scatter @!p0 [tilespmem:s9], [sflag:$0x2], $0x80, $0x38;
	[tilespmem:$0x12800] =	vst v63  }
0xca: {  	s9 =	sadd.s32 @!p0 $0xC00, s0;
	s10 =	sadd.s32 @!p0 $0x1E0, s2  }
0xcb: {  	[hbm4b:s10+s1] =	stream.linear.scatter @!p0 [tilespmem:s9], [sflag:$0x2], $0x80, $0x38;
	[tilespmem:$0x12800] =	vst v63  }
0xcc: {  	s9 =	sadd.s32 @!p0 $0x1000, s0;
	s10 =	sadd.s32 @!p0 $0x260, s2  }
0xcd: {  	[hbm4b:s10+s1] =	stream.linear.scatter @!p0 [tilespmem:s9], [sflag:$0x2], $0x80, $0x38;
	[tilespmem:$0x12800] =	vst v63  }
0xce: {  	s9 =	sadd.s32 @!p0 $0x1400, s0;
	s10 =	sadd.s32 @!p0 $0x2E0, s2  }
0xcf: {  	[hbm4b:s10+s1] =	stream.linear.scatter @!p0 [tilespmem:s9], [sflag:$0x2], $0x80, $0x38;
	[tilespmem:$0x12800] =	vst v63  }
0xd0: {  	s9 =	sadd.s32 @!p0 $0x1800, s0;
	s10 =	sadd.s32 @!p0 $0x360, s2  }
0xd1: {  	[hbm4b:s10+s1] =	stream.linear.scatter @!p0 [tilespmem:s9], [sflag:$0x2], $0x80, $0x38;
	[tilespmem:$0x12800] =	vst v63  }
0xd2: {  	s9 =	sadd.s32 @!p0 $0x1C00, s0;
	s10 =	sadd.s32 @!p0 $0x3E0, s2  }
0xd3: {  	[hbm4b:s10+s1] =	stream.linear.scatter @!p0 [tilespmem:s9], [sflag:$0x2], $0x80, $0x38;
	[tilespmem:$0x12800] =	vst v63  }
0xd4: {  	s0 =	sadd.s32 @!p0 $0x2000, s0;
	s2 =	sadd.s32 @!p0 $0x460, s2  }
0xd5: {  	[hbm4b:s2+s1] =	stream.linear.scatter @!p0 [tilespmem:s0], [sflag:$0x2], $0x80, $0x38;
	[tilespmem:$0x12800] =	vst v63  }
0xd6: {  	s0 =	spop (v2sf)  }
0xd7: {  	s24 =	sshra.s32 s0, $0x6  }
0xd8: {  	p0 =	sne.s32 s24, s4  }
0xd9: {  	s1 =	sshrl.u32 @!p0 s0, $0x3  }
0xda: {  	s1 =	sand.u32 @!p0 $0x7, s1  }
0xdb: {  	s1 =	smul.u32 @!p0 $0x9000, s1  }
0xdc: {  	s0 =	sshll.u32 @!p0 s0, $0x7  }
0xdd: {  	s2 =	sadd.s32 @!p0 s15, s7;
	s0 =	sand.u32 @!p0 $0x380, s0;
	s1 =	sshrl.u32 @!p0 s1, $0x2  }
0xde: {  	s9 =	sadd.s32 @!p0 $0x70, s2;
	s0 =	sor.u32 @!p0 s0, s1;
	s1 =	simm.s32 @!p0 $0x0  }
0xdf: {  	[hbm4b:s9+s1] =	stream.linear.scatter @!p0 [tilespmem:s0], [sflag:$0x2], $0x80, $0x38;
	[tilespmem:$0x12800] =	vst v63  }
0xe0: {  	s10 =	sadd.s32 @!p0 $0xF0, s2;
	s9 =	sadd.s32 @!p0 $0x400, s0  }
0xe1: {  	(v2sf) =	vpush v0, $0x8;
	[hbm4b:s10+s1] =	stream.linear.scatter @!p0 [tilespmem:s9], [sflag:$0x2], $0x80, $0x38;
	[tilespmem:$0x12800] =	vst v63  }
0xe2: {  	s9 =	sadd.s32 @!p0 $0x800, s0;
	s10 =	sadd.s32 @!p0 $0x170, s2  }
0xe3: {  	[hbm4b:s10+s1] =	stream.linear.scatter @!p0 [tilespmem:s9], [sflag:$0x2], $0x80, $0x38;
	[tilespmem:$0x12800] =	vst v63  }
0xe4: {  	s9 =	sadd.s32 @!p0 $0xC00, s0;
	s10 =	sadd.s32 @!p0 $0x1F0, s2  }
0xe5: {  	[hbm4b:s10+s1] =	stream.linear.scatter @!p0 [tilespmem:s9], [sflag:$0x2], $0x80, $0x38;
	[tilespmem:$0x12800] =	vst v63  }
0xe6: {  	s9 =	sadd.s32 @!p0 $0x1000, s0;
	s10 =	sadd.s32 @!p0 $0x270, s2  }
0xe7: {  	[hbm4b:s10+s1] =	stream.linear.scatter @!p0 [tilespmem:s9], [sflag:$0x2], $0x80, $0x38;
	[tilespmem:$0x12800] =	vst v63  }
0xe8: {  	s9 =	sadd.s32 @!p0 $0x1400, s0;
	s10 =	sadd.s32 @!p0 $0x2F0, s2  }
0xe9: {  	[hbm4b:s10+s1] =	stream.linear.scatter @!p0 [tilespmem:s9], [sflag:$0x2], $0x80, $0x38;
	[tilespmem:$0x12800] =	vst v63  }
0xea: {  	s9 =	sadd.s32 @!p0 $0x1800, s0;
	s10 =	sadd.s32 @!p0 $0x370, s2  }
0xeb: {  	[hbm4b:s10+s1] =	stream.linear.scatter @!p0 [tilespmem:s9], [sflag:$0x2], $0x80, $0x38;
	[tilespmem:$0x12800] =	vst v63  }
0xec: {  	s9 =	sadd.s32 @!p0 $0x1C00, s0;
	s10 =	sadd.s32 @!p0 $0x3F0, s2  }
0xed: {  	[hbm4b:s10+s1] =	stream.linear.scatter @!p0 [tilespmem:s9], [sflag:$0x2], $0x80, $0x38;
	[tilespmem:$0x12800] =	vst v63  }
0xee: {  	s0 =	sadd.s32 @!p0 $0x2000, s0;
	s2 =	sadd.s32 @!p0 $0x470, s2  }
0xef: {  	[hbm4b:s2+s1] =	stream.linear.scatter @!p0 [tilespmem:s0], [sflag:$0x2], $0x80, $0x38;
	[tilespmem:$0x12800] =	vst v63  }
0xf0: {  	s0 =	spop (v2sf)  }
0xf1: {  	s25 =	sshra.s32 s0, $0x6  }
0xf2: {  	p0 =	sne.s32 s25, s4  }
0xf3: {  	s1 =	sshrl.u32 @!p0 s0, $0x3  }
0xf4: {  	s1 =	sand.u32 @!p0 $0x7, s1  }
0xf5: {  	s1 =	smul.u32 @!p0 $0x9000, s1  }
0xf6: {  	s0 =	sshll.u32 @!p0 s0, $0x7  }
0xf7: {  	s0 =	sand.u32 @!p0 $0x380, s0;
	s1 =	sshrl.u32 @!p0 s1, $0x2  }
0xf8: {  	s2 =	sadd.s32 @!p0 s15, s8;
	s0 =	sor.u32 @!p0 s0, s1;
	s1 =	simm.s32 @!p0 $0x0  }
0xf9: {  	[hbm4b:s2+s1] =	stream.linear.scatter @!p0 [tilespmem:s0], [sflag:$0x2], $0x80, $0x38;
	[tilespmem:$0x12800] =	vst v63  }
0xfa: {  	s10 =	sadd.s32 @!p0 $0x80, s2;
	s9 =	sadd.s32 @!p0 $0x400, s0  }
0xfb: {  	(v2sf) =	vpush v0, $0x9;
	[hbm4b:s10+s1] =	stream.linear.scatter @!p0 [tilespmem:s9], [sflag:$0x2], $0x80, $0x38;
	[tilespmem:$0x12800] =	vst v63  }
0xfc: {  	s9 =	sadd.s32 @!p0 $0x800, s0;
	s10 =	sadd.s32 @!p0 $0x100, s2  }
0xfd: {  	[hbm4b:s10+s1] =	stream.linear.scatter @!p0 [tilespmem:s9], [sflag:$0x2], $0x80, $0x38;
	[tilespmem:$0x12800] =	vst v63  }
0xfe: {  	s9 =	sadd.s32 @!p0 $0xC00, s0;
	s10 =	sadd.s32 @!p0 $0x180, s2  }
0xff: {  	[hbm4b:s10+s1] =	stream.linear.scatter @!p0 [tilespmem:s9], [sflag:$0x2], $0x80, $0x38;
	[tilespmem:$0x12800] =	vst v63  }
0x100: {  	s9 =	sadd.s32 @!p0 $0x1000, s0;
	s10 =	sadd.s32 @!p0 $0x200, s2  }
0x101: {  	[hbm4b:s10+s1] =	stream.linear.scatter @!p0 [tilespmem:s9], [sflag:$0x2], $0x80, $0x38;
	[tilespmem:$0x12800] =	vst v63  }
0x102: {  	s9 =	sadd.s32 @!p0 $0x1400, s0;
	s10 =	sadd.s32 @!p0 $0x280, s2  }
0x103: {  	[hbm4b:s10+s1] =	stream.linear.scatter @!p0 [tilespmem:s9], [sflag:$0x2], $0x80, $0x38;
	[tilespmem:$0x12800] =	vst v63  }
0x104: {  	s9 =	sadd.s32 @!p0 $0x1800, s0;
	s10 =	sadd.s32 @!p0 $0x300, s2  }
0x105: {  	[hbm4b:s10+s1] =	stream.linear.scatter @!p0 [tilespmem:s9], [sflag:$0x2], $0x80, $0x38;
	[tilespmem:$0x12800] =	vst v63  }
0x106: {  	s9 =	sadd.s32 @!p0 $0x1C00, s0;
	s10 =	sadd.s32 @!p0 $0x380, s2  }
0x107: {  	[hbm4b:s10+s1] =	stream.linear.scatter @!p0 [tilespmem:s9], [sflag:$0x2], $0x80, $0x38;
	[tilespmem:$0x12800] =	vst v63  }
0x108: {  	s0 =	sadd.s32 @!p0 $0x2000, s0;
	s2 =	sadd.s32 @!p0 $0x400, s2  }
0x109: {  	[hbm4b:s2+s1] =	stream.linear.scatter @!p0 [tilespmem:s0], [sflag:$0x2], $0x80, $0x38;
	[tilespmem:$0x12800] =	vst v63  }
0x10a: {  	s0 =	spop (v2sf)  }
0x10b: {  	s26 =	sshra.s32 s0, $0x6  }
0x10c: {  	p0 =	sne.s32 s26, s4  }
0x10d: {  	s1 =	sshrl.u32 @!p0 s0, $0x3  }
0x10e: {  	s1 =	sand.u32 @!p0 $0x7, s1  }
0x10f: {  	s1 =	smul.u32 @!p0 $0x9000, s1  }
0x110: {  	s0 =	sshll.u32 @!p0 s0, $0x7  }
0x111: {  	s2 =	sadd.s32 @!p0 s15, s8;
	s0 =	sand.u32 @!p0 $0x380, s0;
	s1 =	sshrl.u32 @!p0 s1, $0x2  }
0x112: {  	s9 =	sadd.s32 @!p0 $0x10, s2;
	s0 =	sor.u32 @!p0 s0, s1;
	s1 =	simm.s32 @!p0 $0x0  }
0x113: {  	[hbm4b:s9+s1] =	stream.linear.scatter @!p0 [tilespmem:s0], [sflag:$0x2], $0x80, $0x38;
	[tilespmem:$0x12800] =	vst v63  }
0x114: {  	s10 =	sadd.s32 @!p0 $0x90, s2;
	s9 =	sadd.s32 @!p0 $0x400, s0  }
0x115: {  	(v2sf) =	vpush v0, $0xA;
	[hbm4b:s10+s1] =	stream.linear.scatter @!p0 [tilespmem:s9], [sflag:$0x2], $0x80, $0x38;
	[tilespmem:$0x12800] =	vst v63  }
0x116: {  	s9 =	sadd.s32 @!p0 $0x800, s0;
	s10 =	sadd.s32 @!p0 $0x110, s2  }
0x117: {  	[hbm4b:s10+s1] =	stream.linear.scatter @!p0 [tilespmem:s9], [sflag:$0x2], $0x80, $0x38;
	[tilespmem:$0x12800] =	vst v63  }
0x118: {  	s9 =	sadd.s32 @!p0 $0xC00, s0;
	s10 =	sadd.s32 @!p0 $0x190, s2  }
0x119: {  	[hbm4b:s10+s1] =	stream.linear.scatter @!p0 [tilespmem:s9], [sflag:$0x2], $0x80, $0x38;
	[tilespmem:$0x12800] =	vst v63  }
0x11a: {  	s9 =	sadd.s32 @!p0 $0x1000, s0;
	s10 =	sadd.s32 @!p0 $0x210, s2  }
0x11b: {  	[hbm4b:s10+s1] =	stream.linear.scatter @!p0 [tilespmem:s9], [sflag:$0x2], $0x80, $0x38;
	[tilespmem:$0x12800] =	vst v63  }
0x11c: {  	s9 =	sadd.s32 @!p0 $0x1400, s0;
	s10 =	sadd.s32 @!p0 $0x290, s2  }
0x11d: {  	[hbm4b:s10+s1] =	stream.linear.scatter @!p0 [tilespmem:s9], [sflag:$0x2], $0x80, $0x38;
	[tilespmem:$0x12800] =	vst v63  }
0x11e: {  	s9 =	sadd.s32 @!p0 $0x1800, s0;
	s10 =	sadd.s32 @!p0 $0x310, s2  }
0x11f: {  	[hbm4b:s10+s1] =	stream.linear.scatter @!p0 [tilespmem:s9], [sflag:$0x2], $0x80, $0x38;
	[tilespmem:$0x12800] =	vst v63  }
0x120: {  	s9 =	sadd.s32 @!p0 $0x1C00, s0;
	s10 =	sadd.s32 @!p0 $0x390, s2  }
0x121: {  	[hbm4b:s10+s1] =	stream.linear.scatter @!p0 [tilespmem:s9], [sflag:$0x2], $0x80, $0x38;
	[tilespmem:$0x12800] =	vst v63  }
0x122: {  	s0 =	sadd.s32 @!p0 $0x2000, s0;
	s2 =	sadd.s32 @!p0 $0x410, s2  }
0x123: {  	[hbm4b:s2+s1] =	stream.linear.scatter @!p0 [tilespmem:s0], [sflag:$0x2], $0x80, $0x38;
	[tilespmem:$0x12800] =	vst v63  }
0x124: {  	s0 =	spop (v2sf)  }
0x125: {  	s28 =	sshra.s32 s0, $0x6  }
0x126: {  	p0 =	sne.s32 s28, s4  }
0x127: {  	s1 =	sshrl.u32 @!p0 s0, $0x3  }
0x128: {  	s1 =	sand.u32 @!p0 $0x7, s1  }
0x129: {  	s1 =	smul.u32 @!p0 $0x9000, s1  }
0x12a: {  	s0 =	sshll.u32 @!p0 s0, $0x7  }
0x12b: {  	s2 =	sadd.s32 @!p0 s15, s8;
	s0 =	sand.u32 @!p0 $0x380, s0;
	s1 =	sshrl.u32 @!p0 s1, $0x2  }
0x12c: {  	s9 =	sadd.s32 @!p0 $0x20, s2;
	s0 =	sor.u32 @!p0 s0, s1;
	s1 =	simm.s32 @!p0 $0x0  }
0x12d: {  	[hbm4b:s9+s1] =	stream.linear.scatter @!p0 [tilespmem:s0], [sflag:$0x2], $0x80, $0x38;
	[tilespmem:$0x12800] =	vst v63  }
0x12e: {  	s10 =	sadd.s32 @!p0 $0xA0, s2;
	s9 =	sadd.s32 @!p0 $0x400, s0  }
0x12f: {  	(v2sf) =	vpush v0, $0xB;
	[hbm4b:s10+s1] =	stream.linear.scatter @!p0 [tilespmem:s9], [sflag:$0x2], $0x80, $0x38;
	[tilespmem:$0x12800] =	vst v63  }
0x130: {  	s9 =	sadd.s32 @!p0 $0x800, s0;
	s10 =	sadd.s32 @!p0 $0x120, s2  }
0x131: {  	[hbm4b:s10+s1] =	stream.linear.scatter @!p0 [tilespmem:s9], [sflag:$0x2], $0x80, $0x38;
	[tilespmem:$0x12800] =	vst v63  }
0x132: {  	s9 =	sadd.s32 @!p0 $0xC00, s0;
	s10 =	sadd.s32 @!p0 $0x1A0, s2  }
0x133: {  	[hbm4b:s10+s1] =	stream.linear.scatter @!p0 [tilespmem:s9], [sflag:$0x2], $0x80, $0x38;
	[tilespmem:$0x12800] =	vst v63  }
0x134: {  	s9 =	sadd.s32 @!p0 $0x1000, s0;
	s10 =	sadd.s32 @!p0 $0x220, s2  }
0x135: {  	[hbm4b:s10+s1] =	stream.linear.scatter @!p0 [tilespmem:s9], [sflag:$0x2], $0x80, $0x38;
	[tilespmem:$0x12800] =	vst v63  }
0x136: {  	s9 =	sadd.s32 @!p0 $0x1400, s0;
	s10 =	sadd.s32 @!p0 $0x2A0, s2  }
0x137: {  	[hbm4b:s10+s1] =	stream.linear.scatter @!p0 [tilespmem:s9], [sflag:$0x2], $0x80, $0x38;
	[tilespmem:$0x12800] =	vst v63  }
0x138: {  	s9 =	sadd.s32 @!p0 $0x1800, s0;
	s10 =	sadd.s32 @!p0 $0x320, s2  }
0x139: {  	[hbm4b:s10+s1] =	stream.linear.scatter @!p0 [tilespmem:s9], [sflag:$0x2], $0x80, $0x38;
	[tilespmem:$0x12800] =	vst v63  }
0x13a: {  	s9 =	sadd.s32 @!p0 $0x1C00, s0;
	s10 =	sadd.s32 @!p0 $0x3A0, s2  }
0x13b: {  	[hbm4b:s10+s1] =	stream.linear.scatter @!p0 [tilespmem:s9], [sflag:$0x2], $0x80, $0x38;
	[tilespmem:$0x12800] =	vst v63  }
0x13c: {  	s0 =	sadd.s32 @!p0 $0x2000, s0;
	s2 =	sadd.s32 @!p0 $0x420, s2  }
0x13d: {  	[hbm4b:s2+s1] =	stream.linear.scatter @!p0 [tilespmem:s0], [sflag:$0x2], $0x80, $0x38;
	[tilespmem:$0x12800] =	vst v63  }
0x13e: {  	s0 =	spop (v2sf)  }
0x13f: {  	s29 =	sshra.s32 s0, $0x6  }
0x140: {  	p0 =	sne.s32 s29, s4  }
0x141: {  	s1 =	sshrl.u32 @!p0 s0, $0x3  }
0x142: {  	s1 =	sand.u32 @!p0 $0x7, s1  }
0x143: {  	s1 =	smul.u32 @!p0 $0x9000, s1  }
0x144: {  	s0 =	sshll.u32 @!p0 s0, $0x7  }
0x145: {  	s2 =	sadd.s32 @!p0 s15, s8;
	s0 =	sand.u32 @!p0 $0x380, s0;
	s1 =	sshrl.u32 @!p0 s1, $0x2  }
0x146: {  	s9 =	sadd.s32 @!p0 $0x30, s2;
	s0 =	sor.u32 @!p0 s0, s1;
	s1 =	simm.s32 @!p0 $0x0  }
0x147: {  	[hbm4b:s9+s1] =	stream.linear.scatter @!p0 [tilespmem:s0], [sflag:$0x2], $0x80, $0x38;
	[tilespmem:$0x12800] =	vst v63  }
0x148: {  	s10 =	sadd.s32 @!p0 $0xB0, s2;
	s9 =	sadd.s32 @!p0 $0x400, s0  }
0x149: {  	(v2sf) =	vpush v0, $0xC;
	[hbm4b:s10+s1] =	stream.linear.scatter @!p0 [tilespmem:s9], [sflag:$0x2], $0x80, $0x38;
	[tilespmem:$0x12800] =	vst v63  }
0x14a: {  	s9 =	sadd.s32 @!p0 $0x800, s0;
	s10 =	sadd.s32 @!p0 $0x130, s2  }
0x14b: {  	[hbm4b:s10+s1] =	stream.linear.scatter @!p0 [tilespmem:s9], [sflag:$0x2], $0x80, $0x38;
	[tilespmem:$0x12800] =	vst v63  }
0x14c: {  	s9 =	sadd.s32 @!p0 $0xC00, s0;
	s10 =	sadd.s32 @!p0 $0x1B0, s2  }
0x14d: {  	[hbm4b:s10+s1] =	stream.linear.scatter @!p0 [tilespmem:s9], [sflag:$0x2], $0x80, $0x38;
	[tilespmem:$0x12800] =	vst v63  }
0x14e: {  	s9 =	sadd.s32 @!p0 $0x1000, s0;
	s10 =	sadd.s32 @!p0 $0x230, s2  }
0x14f: {  	[hbm4b:s10+s1] =	stream.linear.scatter @!p0 [tilespmem:s9], [sflag:$0x2], $0x80, $0x38;
	[tilespmem:$0x12800] =	vst v63  }
0x150: {  	s9 =	sadd.s32 @!p0 $0x1400, s0;
	s10 =	sadd.s32 @!p0 $0x2B0, s2  }
0x151: {  	[hbm4b:s10+s1] =	stream.linear.scatter @!p0 [tilespmem:s9], [sflag:$0x2], $0x80, $0x38;
	[tilespmem:$0x12800] =	vst v63  }
0x152: {  	s9 =	sadd.s32 @!p0 $0x1800, s0;
	s10 =	sadd.s32 @!p0 $0x330, s2  }
0x153: {  	[hbm4b:s10+s1] =	stream.linear.scatter @!p0 [tilespmem:s9], [sflag:$0x2], $0x80, $0x38;
	[tilespmem:$0x12800] =	vst v63  }
0x154: {  	s9 =	sadd.s32 @!p0 $0x1C00, s0;
	s10 =	sadd.s32 @!p0 $0x3B0, s2  }
0x155: {  	[hbm4b:s10+s1] =	stream.linear.scatter @!p0 [tilespmem:s9], [sflag:$0x2], $0x80, $0x38;
	[tilespmem:$0x12800] =	vst v63  }
0x156: {  	s0 =	sadd.s32 @!p0 $0x2000, s0;
	s2 =	sadd.s32 @!p0 $0x430, s2  }
0x157: {  	[hbm4b:s2+s1] =	stream.linear.scatter @!p0 [tilespmem:s0], [sflag:$0x2], $0x80, $0x38;
	[tilespmem:$0x12800] =	vst v63  }
0x158: {  	s0 =	spop (v2sf)  }
0x159: {  	s30 =	sshra.s32 s0, $0x6  }
0x15a: {  	p0 =	sne.s32 s30, s4  }
0x15b: {  	s1 =	sshrl.u32 @!p0 s0, $0x3  }
0x15c: {  	s1 =	sand.u32 @!p0 $0x7, s1  }
0x15d: {  	s1 =	smul.u32 @!p0 $0x9000, s1  }
0x15e: {  	s0 =	sshll.u32 @!p0 s0, $0x7  }
0x15f: {  	s2 =	sadd.s32 @!p0 s15, s8;
	s0 =	sand.u32 @!p0 $0x380, s0;
	s1 =	sshrl.u32 @!p0 s1, $0x2  }
0x160: {  	s9 =	sadd.s32 @!p0 $0x40, s2;
	s0 =	sor.u32 @!p0 s0, s1;
	s1 =	simm.s32 @!p0 $0x0  }
0x161: {  	[hbm4b:s9+s1] =	stream.linear.scatter @!p0 [tilespmem:s0], [sflag:$0x2], $0x80, $0x38;
	[tilespmem:$0x12800] =	vst v63  }
0x162: {  	s10 =	sadd.s32 @!p0 $0xC0, s2;
	s9 =	sadd.s32 @!p0 $0x400, s0  }
0x163: {  	(v2sf) =	vpush v0, $0xD;
	[hbm4b:s10+s1] =	stream.linear.scatter @!p0 [tilespmem:s9], [sflag:$0x2], $0x80, $0x38;
	[tilespmem:$0x12800] =	vst v63  }
0x164: {  	s9 =	sadd.s32 @!p0 $0x800, s0;
	s10 =	sadd.s32 @!p0 $0x140, s2  }
0x165: {  	[hbm4b:s10+s1] =	stream.linear.scatter @!p0 [tilespmem:s9], [sflag:$0x2], $0x80, $0x38;
	[tilespmem:$0x12800] =	vst v63  }
0x166: {  	s9 =	sadd.s32 @!p0 $0xC00, s0;
	s10 =	sadd.s32 @!p0 $0x1C0, s2  }
0x167: {  	[hbm4b:s10+s1] =	stream.linear.scatter @!p0 [tilespmem:s9], [sflag:$0x2], $0x80, $0x38;
	[tilespmem:$0x12800] =	vst v63  }
0x168: {  	s9 =	sadd.s32 @!p0 $0x1000, s0;
	s10 =	sadd.s32 @!p0 $0x240, s2  }
0x169: {  	[hbm4b:s10+s1] =	stream.linear.scatter @!p0 [tilespmem:s9], [sflag:$0x2], $0x80, $0x38;
	[tilespmem:$0x12800] =	vst v63  }
0x16a: {  	s9 =	sadd.s32 @!p0 $0x1400, s0;
	s10 =	sadd.s32 @!p0 $0x2C0, s2  }
0x16b: {  	[hbm4b:s10+s1] =	stream.linear.scatter @!p0 [tilespmem:s9], [sflag:$0x2], $0x80, $0x38;
	[tilespmem:$0x12800] =	vst v63  }
0x16c: {  	s9 =	sadd.s32 @!p0 $0x1800, s0;
	s10 =	sadd.s32 @!p0 $0x340, s2  }
0x16d: {  	[hbm4b:s10+s1] =	stream.linear.scatter @!p0 [tilespmem:s9], [sflag:$0x2], $0x80, $0x38;
	[tilespmem:$0x12800] =	vst v63  }
0x16e: {  	s9 =	sadd.s32 @!p0 $0x1C00, s0;
	s10 =	sadd.s32 @!p0 $0x3C0, s2  }
0x16f: {  	[hbm4b:s10+s1] =	stream.linear.scatter @!p0 [tilespmem:s9], [sflag:$0x2], $0x80, $0x38;
	[tilespmem:$0x12800] =	vst v63  }
0x170: {  	s0 =	sadd.s32 @!p0 $0x2000, s0;
	s2 =	sadd.s32 @!p0 $0x440, s2  }
0x171: {  	[hbm4b:s2+s1] =	stream.linear.scatter @!p0 [tilespmem:s0], [sflag:$0x2], $0x80, $0x38;
	[tilespmem:$0x12800] =	vst v63  }
0x172: {  	s0 =	spop (v2sf)  }
0x173: {  	s31 =	sshra.s32 s0, $0x6  }
0x174: {  	p0 =	sne.s32 s31, s4  }
0x175: {  	s1 =	sshrl.u32 @!p0 s0, $0x3  }
0x176: {  	s1 =	sand.u32 @!p0 $0x7, s1  }
0x177: {  	s1 =	smul.u32 @!p0 $0x9000, s1  }
0x178: {  	s0 =	sshll.u32 @!p0 s0, $0x7  }
0x179: {  	s2 =	sadd.s32 @!p0 s15, s8;
	s0 =	sand.u32 @!p0 $0x380, s0;
	s1 =	sshrl.u32 @!p0 s1, $0x2  }
0x17a: {  	s9 =	sadd.s32 @!p0 $0x50, s2;
	s0 =	sor.u32 @!p0 s0, s1;
	s1 =	simm.s32 @!p0 $0x0  }
0x17b: {  	[hbm4b:s9+s1] =	stream.linear.scatter @!p0 [tilespmem:s0], [sflag:$0x2], $0x80, $0x38;
	[tilespmem:$0x12800] =	vst v63  }
0x17c: {  	s10 =	sadd.s32 @!p0 $0xD0, s2;
	s9 =	sadd.s32 @!p0 $0x400, s0  }
0x17d: {  	(v2sf) =	vpush v0, $0xE;
	[hbm4b:s10+s1] =	stream.linear.scatter @!p0 [tilespmem:s9], [sflag:$0x2], $0x80, $0x38;
	[tilespmem:$0x12800] =	vst v63  }
0x17e: {  	s9 =	sadd.s32 @!p0 $0x800, s0;
	s10 =	sadd.s32 @!p0 $0x150, s2  }
0x17f: {  	[hbm4b:s10+s1] =	stream.linear.scatter @!p0 [tilespmem:s9], [sflag:$0x2], $0x80, $0x38;
	[tilespmem:$0x12800] =	vst v63  }
0x180: {  	s9 =	sadd.s32 @!p0 $0xC00, s0;
	s10 =	sadd.s32 @!p0 $0x1D0, s2  }
0x181: {  	[hbm4b:s10+s1] =	stream.linear.scatter @!p0 [tilespmem:s9], [sflag:$0x2], $0x80, $0x38;
	[tilespmem:$0x12800] =	vst v63  }
0x182: {  	s9 =	sadd.s32 @!p0 $0x1000, s0;
	s10 =	sadd.s32 @!p0 $0x250, s2  }
0x183: {  	[hbm4b:s10+s1] =	stream.linear.scatter @!p0 [tilespmem:s9], [sflag:$0x2], $0x80, $0x38;
	[tilespmem:$0x12800] =	vst v63  }
0x184: {  	s9 =	sadd.s32 @!p0 $0x1400, s0;
	s10 =	sadd.s32 @!p0 $0x2D0, s2  }
0x185: {  	[hbm4b:s10+s1] =	stream.linear.scatter @!p0 [tilespmem:s9], [sflag:$0x2], $0x80, $0x38;
	[tilespmem:$0x12800] =	vst v63  }
0x186: {  	s9 =	sadd.s32 @!p0 $0x1800, s0;
	s10 =	sadd.s32 @!p0 $0x350, s2  }
0x187: {  	[hbm4b:s10+s1] =	stream.linear.scatter @!p0 [tilespmem:s9], [sflag:$0x2], $0x80, $0x38;
	[tilespmem:$0x12800] =	vst v63  }
0x188: {  	s9 =	sadd.s32 @!p0 $0x1C00, s0;
	s10 =	sadd.s32 @!p0 $0x3D0, s2  }
0x189: {  	[hbm4b:s10+s1] =	stream.linear.scatter @!p0 [tilespmem:s9], [sflag:$0x2], $0x80, $0x38;
	[tilespmem:$0x12800] =	vst v63  }
0x18a: {  	s0 =	sadd.s32 @!p0 $0x2000, s0;
	s2 =	sadd.s32 @!p0 $0x450, s2  }
0x18b: {  	[hbm4b:s2+s1] =	stream.linear.scatter @!p0 [tilespmem:s0], [sflag:$0x2], $0x80, $0x38;
	[tilespmem:$0x12800] =	vst v63  }
0x18c: {  	s0 =	spop (v2sf)  }
0x18d: {  	s2 =	sshra.s32 s0, $0x6  }
0x18e: {  	p0 =	sne.s32 s2, s4  }
0x18f: {  	s1 =	sshrl.u32 @!p0 s0, $0x3  }
0x190: {  	s1 =	sand.u32 @!p0 $0x7, s1  }
0x191: {  	s1 =	smul.u32 @!p0 $0x9000, s1  }
0x192: {  	s0 =	sshll.u32 @!p0 s0, $0x7  }
0x193: {  	s9 =	sadd.s32 @!p0 s15, s8;
	s0 =	sand.u32 @!p0 $0x380, s0;
	s1 =	sshrl.u32 @!p0 s1, $0x2  }
0x194: {  	s10 =	sadd.s32 @!p0 $0x60, s9;
	s0 =	sor.u32 @!p0 s0, s1;
	s1 =	simm.s32 @!p0 $0x0  }
0x195: {  	[hbm4b:s10+s1] =	stream.linear.scatter @!p0 [tilespmem:s0], [sflag:$0x2], $0x80, $0x38;
	[tilespmem:$0x12800] =	vst v63  }
0x196: {  	s3 =	sadd.s32 @!p0 $0xE0, s9;
	s10 =	sadd.s32 @!p0 $0x400, s0  }
0x197: {  	(v2sf) =	vpush v0, $0xF;
	[hbm4b:s3+s1] =	stream.linear.scatter @!p0 [tilespmem:s10], [sflag:$0x2], $0x80, $0x38;
	[tilespmem:$0x12800] =	vst v63  }
0x198: {  	s3 =	sadd.s32 @!p0 $0x800, s0;
	s10 =	sadd.s32 @!p0 $0x160, s9  }
0x199: {  	[hbm4b:s10+s1] =	stream.linear.scatter @!p0 [tilespmem:s3], [sflag:$0x2], $0x80, $0x38;
	[tilespmem:$0x12800] =	vst v63  }
0x19a: {  	s3 =	sadd.s32 @!p0 $0xC00, s0;
	s10 =	sadd.s32 @!p0 $0x1E0, s9  }
0x19b: {  	[hbm4b:s10+s1] =	stream.linear.scatter @!p0 [tilespmem:s3], [sflag:$0x2], $0x80, $0x38;
	[tilespmem:$0x12800] =	vst v63  }
0x19c: {  	s3 =	sadd.s32 @!p0 $0x1000, s0;
	s10 =	sadd.s32 @!p0 $0x260, s9  }
0x19d: {  	[hbm4b:s10+s1] =	stream.linear.scatter @!p0 [tilespmem:s3], [sflag:$0x2], $0x80, $0x38;
	[tilespmem:$0x12800] =	vst v63  }
0x19e: {  	s3 =	sadd.s32 @!p0 $0x1400, s0;
	s10 =	sadd.s32 @!p0 $0x2E0, s9  }
0x19f: {  	[hbm4b:s10+s1] =	stream.linear.scatter @!p0 [tilespmem:s3], [sflag:$0x2], $0x80, $0x38;
	[tilespmem:$0x12800] =	vst v63  }
0x1a0: {  	s3 =	sadd.s32 @!p0 $0x1800, s0;
	s10 =	sadd.s32 @!p0 $0x360, s9  }
0x1a1: {  	[hbm4b:s10+s1] =	stream.linear.scatter @!p0 [tilespmem:s3], [sflag:$0x2], $0x80, $0x38;
	[tilespmem:$0x12800] =	vst v63  }
0x1a2: {  	s3 =	sadd.s32 @!p0 $0x1C00, s0;
	s10 =	sadd.s32 @!p0 $0x3E0, s9  }
0x1a3: {  	[hbm4b:s10+s1] =	stream.linear.scatter @!p0 [tilespmem:s3], [sflag:$0x2], $0x80, $0x38;
	[tilespmem:$0x12800] =	vst v63  }
0x1a4: {  	s0 =	sadd.s32 @!p0 $0x2000, s0;
	s3 =	sadd.s32 @!p0 $0x460, s9  }
0x1a5: {  	[hbm4b:s3+s1] =	stream.linear.scatter @!p0 [tilespmem:s0], [sflag:$0x2], $0x80, $0x38;
	[tilespmem:$0x12800] =	vst v63  }
0x1a6: {  	s1 =	spop (v2sf)  }
0x1a7: {  	s0 =	sshra.s32 s1, $0x6  }
0x1a8: {  	p0 =	sne.s32 s0, s4  }
0x1a9: {  	s3 =	sshrl.u32 @!p0 s1, $0x3  }
0x1aa: {  	s3 =	sand.u32 @!p0 $0x7, s3  }
0x1ab: {  	s3 =	smul.u32 @!p0 $0x9000, s3  }
0x1ac: {  	s9 =	sshll.u32 @!p0 s1, $0x7  }
0x1ad: {  	s1 =	sadd.s32 @!p0 s15, s8;
	s9 =	sand.u32 @!p0 $0x380, s9;
	s3 =	sshrl.u32 @!p0 s3, $0x2  }
0x1ae: {  	s5 =	sadd.s32 @!p0 $0x70, s1;
	s10 =	sor.u32 @!p0 s9, s3;
	s9 =	simm.s32 @!p0 $0x0  }
0x1af: {  	[hbm4b:s5+s9] =	stream.linear.scatter @!p0 [tilespmem:s10], [sflag:$0x2], $0x80, $0x38;
	[tilespmem:$0x12800] =	vst v63  }
0x1b0: {  	s3 =	sadd.s32 @!p0 $0x400, s10;
	s5 =	sadd.s32 @!p0 $0xF0, s1  }
0x1b1: {  	[hbm4b:s5+s9] =	stream.linear.scatter @!p0 [tilespmem:s3], [sflag:$0x2], $0x80, $0x38;
	[tilespmem:$0x12800] =	vst v63  }
0x1b2: {  	s3 =	sadd.s32 @!p0 $0x800, s10;
	s5 =	sadd.s32 @!p0 $0x170, s1  }
0x1b3: {  	[hbm4b:s5+s9] =	stream.linear.scatter @!p0 [tilespmem:s3], [sflag:$0x2], $0x80, $0x38;
	[tilespmem:$0x12800] =	vst v63  }
0x1b4: {  	s3 =	sadd.s32 @!p0 $0xC00, s10;
	s5 =	sadd.s32 @!p0 $0x1F0, s1  }
0x1b5: {  	[hbm4b:s5+s9] =	stream.linear.scatter @!p0 [tilespmem:s3], [sflag:$0x2], $0x80, $0x38;
	[tilespmem:$0x12800] =	vst v63  }
0x1b6: {  	s3 =	sadd.s32 @!p0 $0x1000, s10;
	s5 =	sadd.s32 @!p0 $0x270, s1  }
0x1b7: {  	[hbm4b:s5+s9] =	stream.linear.scatter @!p0 [tilespmem:s3], [sflag:$0x2], $0x80, $0x38;
	[tilespmem:$0x12800] =	vst v63  }
0x1b8: {  	s3 =	sadd.s32 @!p0 $0x1400, s10;
	s5 =	sadd.s32 @!p0 $0x2F0, s1  }
0x1b9: {  	[hbm4b:s5+s9] =	stream.linear.scatter @!p0 [tilespmem:s3], [sflag:$0x2], $0x80, $0x38;
	[tilespmem:$0x12800] =	vst v63  }
0x1ba: {  	s3 =	sadd.s32 @!p0 $0x1800, s10;
	s5 =	sadd.s32 @!p0 $0x370, s1  }
0x1bb: {  	[hbm4b:s5+s9] =	stream.linear.scatter @!p0 [tilespmem:s3], [sflag:$0x2], $0x80, $0x38;
	[tilespmem:$0x12800] =	vst v63  }
0x1bc: {  	s3 =	sadd.s32 @!p0 $0x1C00, s10;
	s5 =	sadd.s32 @!p0 $0x3F0, s1  }
0x1bd: {  	[hbm4b:s5+s9] =	stream.linear.scatter @!p0 [tilespmem:s3], [sflag:$0x2], $0x80, $0x38;
	[tilespmem:$0x12800] =	vst v63  }
0x1be: {  	p1 =	seq.s32 s17, s4;
	s3 =	simm.s32 $0x1  }
0x1bf: {  	s5 =	simm.s32 $0x1;
	s3 =	simm.s32 @!p1 $0x0;
	p1 =	seq.s32 s18, s4  }
0x1c0: {  	s3 =	sadd.s32 s3, s16;
	s5 =	simm.s32 @!p1 $0x0  }
0x1c1: {  	p1 =	seq.s32 s19, s4;
	s16 =	simm.s32 $0x1;
	s3 =	sadd.s32 s5, s3  }
0x1c2: {  	s16 =	simm.s32 @!p1 $0x0;
	p1 =	seq.s32 s20, s4;
	s5 =	simm.s32 $0x1  }
0x1c3: {  	s3 =	sadd.s32 s16, s3;
	s5 =	simm.s32 @!p1 $0x0  }
0x1c4: {  	p1 =	seq.s32 s21, s4;
	s16 =	simm.s32 $0x1;
	s3 =	sadd.s32 s5, s3  }
0x1c5: {  	s16 =	simm.s32 @!p1 $0x0;
	p1 =	seq.s32 s22, s4;
	s5 =	simm.s32 $0x1  }
0x1c6: {  	s3 =	sadd.s32 s16, s3;
	s5 =	simm.s32 @!p1 $0x0  }
0x1c7: {  	p1 =	seq.s32 s23, s4;
	s16 =	simm.s32 $0x1;
	s3 =	sadd.s32 s5, s3  }
0x1c8: {  	s16 =	simm.s32 @!p1 $0x0;
	p1 =	seq.s32 s24, s4;
	s5 =	simm.s32 $0x1  }
0x1c9: {  	s3 =	sadd.s32 s16, s3;
	s5 =	simm.s32 @!p1 $0x0  }
0x1ca: {  	p1 =	seq.s32 s25, s4;
	s16 =	simm.s32 $0x1;
	s3 =	sadd.s32 s5, s3  }
0x1cb: {  	s16 =	simm.s32 @!p1 $0x0;
	p1 =	seq.s32 s26, s4;
	s5 =	simm.s32 $0x1  }
0x1cc: {  	s3 =	sadd.s32 s16, s3;
	s5 =	simm.s32 @!p1 $0x0  }
0x1cd: {  	p1 =	seq.s32 s28, s4;
	s16 =	simm.s32 $0x1;
	s3 =	sadd.s32 s5, s3  }
0x1ce: {  	s16 =	simm.s32 @!p1 $0x0;
	p1 =	seq.s32 s29, s4;
	s5 =	simm.s32 $0x1  }
0x1cf: {  	s3 =	sadd.s32 s16, s3;
	s5 =	simm.s32 @!p1 $0x0  }
0x1d0: {  	p1 =	seq.s32 s30, s4;
	s16 =	simm.s32 $0x1;
	s3 =	sadd.s32 s5, s3  }
0x1d1: {  	s16 =	simm.s32 @!p1 $0x0;
	p1 =	seq.s32 s31, s4;
	s5 =	simm.s32 $0x1  }
0x1d2: {  	s3 =	sadd.s32 s16, s3;
	s5 =	simm.s32 @!p1 $0x0  }
0x1d3: {  	s1 =	sadd.s32 @!p0 $0x470, s1;
	s3 =	sadd.s32 s5, s3;
	s5 =	sadd.s32 @!p0 $0x2000, s10  }
0x1d4: {  	[hbm4b:s1+s9] =	stream.linear.scatter @!p0 [tilespmem:s5], [sflag:$0x2], $0x80, $0x38;
	[tilespmem:$0x12800] =	vst v63  }
0x1d5: {  	s15 =	sadd.s32 $0x9000, s15;
	p0 =	seq.s32 s0, s4;
	s0 =	simm.s32 $0x1  }
0x1d6: {  	s0 =	simm.s32 @!p0 $0x0;
	p0 =	seq.s32 s15, $0x480000  }
.Ltmp2:
0x1d7: {  	_ = 	snop;
	(pc) =	sbr.rel @!p0 .LBB2_2-.Ltmp2, $4  }
0x1d8: {  	p2 =	seq.s32 s2, s4;
	s2 =	simm.s32 $0x1  }
0x1d9: {  	s2 =	simm.s32 @!p2 $0x0  }
0x1da: {  	s31 =	sadd.s32 s2, s3  }
0x1db: {  	s14 =	sadd.s32 $0x10, s14;
	s16 =	sadd.s32 s0, s31  }
0x1dc: {  	p0 =	sgt.s32 s16, $0x0  }
.Ltmp3:
0x1dd: {  	_ = 	snop;
	(pc) =	sbr.rel @!p0 .LBB2_7-.Ltmp3, $2  }
0x1de: {  	_ =	sdelay $0x2  }
0x1df: {  	s0 =	simm.s32 $0x0  }
0x1e0: {  	s0 =	sadd.s32 $0x1, s0  }
0x1e1: {  	p0 =	slt.s32 s0, s16  }
.Ltmp4:
0x1e2: {  	_ = 	snop;
	(pc) =	sbr.rel @!p0 .LBB2_6-.Ltmp4, $3  }
0x1e3: {  	_ =	sdelay $0x1  }
0x1e4: {  	_ =	swait.ge [sflag:s12], $0x480  }
0x1e5: {  	[sflag:s12] =	ssyncset.done $0x0  }
.LBB2_5:
0x1e6: {  	s0 =	sadd.s32 $0x1, s0  }
0x1e7: {  	[sflag:s12] =	ssyncadd.s32 $0xFFFFFB80;
	p0 =	slt.s32 s0, s16  }
.Ltmp5:
0x1e8: {  	(pc) =	sbr.rel @p0 .LBB2_5-.Ltmp5, $3  }
0x1e9: {  	_ =	sdelay $0x1  }
0x1ea: {  	_ =	swait.ge [sflag:s12], $0x480  }
0x1eb: {  	[sflag:s12] =	ssyncset.done $0x0  }
.Ltmp6:
0x1ec: {  	_ = 	snop;
	(pc) =	sbr.rel .LBB2_6-.Ltmp6, $1  }
0x1ed: {  	_ =	sdelay $0x3  }
.LBB2_8:
0x1ee: {  	_ =	sfence.sel $0x180000  }
0x1ef: {  	[bflag:$0x0] =	sbarrier.arrive $0xFFFF  }
0x1f0: {  	_ =	strace $0x90000047  }
0x1f1: {  	s0 =	stileid.u32;
	[bflag:$0x2] =	sbarrier.arrive $0xFFFF  }
0x1f2: {  	p0 =	sne.s32 s0, $0x0;
	s0 =	rddreg [dreg:$0x3]  }
0x1f3: {  	s0 =	sadd.s32 @!p0 $0x100000, s0  }
0x1f4: {  	[sflag:s0] =	ssyncadd.tile.s32 @!p0 $0x1;
	_ =	shalt  }
.Lfunc_end2:
_tile_overlayer_lowered:
.L_overlay_start_2:
0x1f5: {  	(tag) =	ssettag $0x2  }
0x1f6: {  	s0 =	rddreg [dreg:$0x0];
	s2 =	stileid.u32  }
0x1f7: {  	s1 =	rddreg [dreg:$0x1];
	p0 =	sne.s32 s2, $0x0  }
0x1f8: {  	s3 =	rddreg [dreg:$0x2];
	[bflag:$0x3] =	sbarrier.arrive $0xFFFF;
	s2 =	simm.s32 @!p0 $0x1C03  }
0x1f9: {  	[timem:s3], [sflag:s2] =	dma.local @!p0 [hbm:s0], s1  }
0x1fa: {  	s0 =	simm.s32 @!p0 $0x3  }
0x1fb: {  	_ =	swait.ge @!p0 [sflag:s0], s1  }
0x1fc: {  	s1 =	ssub.s32 @!p0 $0x0, s1;
	[sflag:s0] =	ssyncset.done @!p0 $0x0  }
0x1fd: {  	[sflag:s0] =	ssyncadd.s32 @!p0 s1  }
0x1fe: {  	[bflag:$0x3] =	sbarrier.arrive $0xFFFF  }
0x1ff: {  	_ =	shalt  }

</sc_bundles>
